<compile_context>
chip_gen: v7x
topology: tpu7x:2x2x1
jax: 0.10.2.dev20260603
libtpu: 0.0.44.dev20260713+nightly
codegen_flags: <defaults>
</compile_context>

<pallas_src>
import jax
import jax.numpy as jnp
from jax import lax
from jax.experimental import pallas as pl
from jax.experimental.pallas import tpu as pltpu
from jax.experimental.pallas import tpu_sc as plsc

CAP = 1000000
D = 64
B = 16384
NC = 1
NS = 16
L = 16
NW = NC * NS
SPW = B // NW
CH = 128
NCH = SPW // CH
RANGE_BITS = 16
RANGE = 1 << RANGE_BITS
SENT = 2**31 - 1


def _body(idx_h, val_x, val_y, samp_h, out_x, out_y,
          idx_v, valy_v, pos_v, pos_h, cells_v, w_v, wm1_v, gates_v, yout_v,
          rows_v, sem_a, sem_b, sem_c):
    cid = lax.axis_index("c")
    tid = lax.axis_index("s")
    wid = cid * NS + tid

    cp_idx = pltpu.async_copy(idx_h, idx_v, sem_b)
    cp_vy = pltpu.async_copy(val_y, valy_v, sem_c)

    zeros = jnp.zeros((L,), jnp.int32)

    @plsc.parallel_loop(0, RANGE, step=L, unroll=8)
    def _clr(i):
        pos_v[pl.ds(i, L)] = zeros

    cp_idx.wait()
    lanes = lax.iota(jnp.int32, L)

    UNROLL = 4

    def scan(v0, carry):
        for u in range(UNROLL):
            v = v0 * UNROLL + u
            k = idx_v[pl.ds(v * L, L)]
            mine = (k >> RANGE_BITS) == tid
            cl = k & (RANGE - 1)
            _, lastm = plsc.scan_count(cl, mask=mine)
            plsc.store_scatter(
                pos_v, [cl], v * L + lanes + 1, mask=lastm & mine
            )
        return carry

    lax.fori_loop(0, B // L // UNROLL, scan, 0)

    pltpu.sync_copy(pos_v, pos_h.at[pl.ds((cid * NS + tid) * RANGE, RANGE)])
    plsc.subcore_barrier()
    cp_vy.wait()

    def chunk(c, carry):
        base = wid * SPW + c * CH
        pltpu.sync_copy(samp_h.at[pl.ds(base, CH)], cells_v)
        for g in range(CH // L):
            wm1_v[pl.ds(g * L, L)] = (
                cells_v[pl.ds(g * L, L)] + cid * (NS * RANGE)
            )
        pltpu.async_copy(pos_h.at[wm1_v], w_v, sem_a).wait()

        for g in range(CH // L):
            w = w_v[pl.ds(g * L, L)]
            matched = w > 0
            wm1_v[pl.ds(g * L, L)] = jnp.where(
                matched, w - 1, base + g * L + lanes
            )
            gates_v[pl.ds(g * L, L)] = jnp.where(matched, 1.0, 0.0)

        pltpu.async_copy(val_x.at[wm1_v], rows_v, sem_a).wait()

        @plsc.parallel_loop(0, CH, step=1, unroll=4)
        def _gate_row(r):
            rvec = jnp.zeros((L,), jnp.int32) + r
            gl = plsc.load_gather(gates_v, [rvec])
            for g in range(D // L):
                rows_v[r, pl.ds(g * L, L)] = rows_v[r, pl.ds(g * L, L)] * gl

        for g in range(CH // L):
            w = w_v[pl.ds(g * L, L)]
            wm1 = jnp.maximum(w - 1, 0)
            yv = plsc.load_gather(valy_v, [wm1])
            yout_v[pl.ds(g * L, L)] = jnp.where(w > 0, yv, 0)

        pltpu.sync_copy(rows_v, out_x.at[pl.ds(base, CH)])
        pltpu.sync_copy(yout_v, out_y.at[pl.ds(base, CH)])
        return carry

    lax.fori_loop(0, NCH, chunk, 0)


def kernel(mem_x, mem_y, idx, val_x, val_y, sample_idx):
    del mem_x, mem_y
    mesh = plsc.VectorSubcoreMesh(
        core_axis_name="c", subcore_axis_name="s", num_cores=NC, num_subcores=NS
    )
    f = pl.kernel(
        _body,
        out_type=(
            jax.ShapeDtypeStruct((B, D), jnp.float32),
            jax.ShapeDtypeStruct((B,), jnp.int32),
        ),
        mesh=mesh,
        compiler_params=pltpu.CompilerParams(
            needs_layout_passes=False, use_tc_tiling_on_sc=False
        ),
        scratch_types=[
            pltpu.VMEM((B,), jnp.int32),
            pltpu.VMEM((B,), jnp.int32),
            pltpu.VMEM((RANGE,), jnp.int32),
            pltpu.HBM((NC * NS * RANGE,), jnp.int32),
            pltpu.VMEM((CH,), jnp.int32),
            pltpu.VMEM((CH,), jnp.int32),
            pltpu.VMEM((CH,), jnp.int32),
            pltpu.VMEM((CH,), jnp.float32),
            pltpu.VMEM((CH,), jnp.int32),
            pltpu.VMEM((CH, D), jnp.float32),
            pltpu.SemaphoreType.DMA,
            pltpu.SemaphoreType.DMA,
            pltpu.SemaphoreType.DMA,
        ],
    )
    out_x, out_y = f(idx, val_x, val_y, sample_idx)
    return (out_x, out_y)

# --- scband reference (transcript-rebuilt; emitter-appended) ---
"""Pipeline reference for scband-replay-buffer-24524263260698 (READ-ONLY COPY).

The authoritative reference and input builder live on the scoring server;
editing this copy changes nothing except your own understanding.
"""

import jax, jax.numpy as jnp
import numpy as np

CAPACITY = 1000000
D = 64
B = 16384
NUM_CLASSES = 1000


def setup_inputs(seed: int = 0) -> dict:
    key = jax.random.key(seed)
    k1, k2, k3, k4 = jax.random.split(key, 4)
    return {
        # learned/persistent state: the replay buffer tensors (zeros at init, per __init__)
        "mem_x": jnp.zeros((CAPACITY, D), dtype=jnp.float32),
        "mem_y": jnp.zeros((CAPACITY,), dtype=jnp.int32),
        # update() batch: ring-buffer style write positions + values
        "idx": jax.random.randint(k1, (B,), 0, CAPACITY, dtype=jnp.int32),
        "val_x": jax.random.normal(k2, (B, D), dtype=jnp.float32),
        "val_y": jax.random.randint(k3, (B,), 0, NUM_CLASSES, dtype=jnp.int32),
        # sample() indices (torch.randint(0, count, (n,)) made explicit for determinism)
        "sample_idx": jax.random.randint(k4, (B,), 0, CAPACITY, dtype=jnp.int32),
    }


def reference(mem_x, mem_y, idx, val_x, val_y, sample_idx):
    # update(): scatter-overwrite new examples into the buffer rows
    new_x = mem_x.at[idx].set(val_x)
    new_y = mem_y.at[idx].set(val_y)
    # sample(n): gather rows at random indices from each buffer
    out_x = jnp.take(new_x, sample_idx, axis=0)
    out_y = jnp.take(new_y, sample_idx, axis=0)
    return (out_x, out_y)

if __name__ == "__main__":
    import jax
    _d = setup_inputs()
    print(jax.jit(kernel)(*tuple(_d.values())))

</pallas_src>

<mosaic_0001>
#map = affine_map<(d0, d1) -> (0)>
#map1 = affine_map<(d0, d1) -> (0, 0)>
module attributes {stable_mosaic.version = 14 : i64} {
  func.func @_body(%arg0: i32, %arg1: i32, %arg2: memref<16384xi32, #tpu.memory_space<hbm>>, %arg3: memref<16384x64xf32, #tpu.memory_space<hbm>>, %arg4: memref<16384xi32, #tpu.memory_space<hbm>>, %arg5: memref<16384xi32, #tpu.memory_space<hbm>>, %arg6: memref<16384x64xf32, #tpu.memory_space<hbm>>, %arg7: memref<16384xi32, #tpu.memory_space<hbm>>, %arg8: memref<16384xi32, #tpu.memory_space<vmem>>, %arg9: memref<16384xi32, #tpu.memory_space<vmem>>, %arg10: memref<65536xi32, #tpu.memory_space<vmem>>, %arg11: memref<1048576xi32, #tpu.memory_space<hbm>>, %arg12: memref<128xi32, #tpu.memory_space<vmem>>, %arg13: memref<128xi32, #tpu.memory_space<vmem>>, %arg14: memref<128xi32, #tpu.memory_space<vmem>>, %arg15: memref<128xf32, #tpu.memory_space<vmem>>, %arg16: memref<128xi32, #tpu.memory_space<vmem>>, %arg17: memref<128x64xf32, #tpu.memory_space<vmem>>, %arg18: memref<!tpu.dma_semaphore, #tpu.memory_space<semaphore_mem>>, %arg19: memref<!tpu.dma_semaphore, #tpu.memory_space<semaphore_mem>>, %arg20: memref<!tpu.dma_semaphore, #tpu.memory_space<semaphore_mem>>) attributes {dimension_semantics = [#tpu.dimension_semantics<core_parallel>, #tpu.dimension_semantics<subcore_parallel>], iteration_bounds = array<i64: 1, 16>, scalar_prefetch = 0 : i64, scratch_operands = 13 : i64, tpu.core_type = #tpu.core_type<sc_vector_subcore>, window_params = [{transform_indices = #map}, {transform_indices = #map1}, {transform_indices = #map}, {transform_indices = #map}, {transform_indices = #map1}, {transform_indices = #map}]} {
    %mul3A = arith.constant 16 : i32
    %mul3A_0 = arith.muli %arg0, %mul3A : i32
    %add3A = arith.addi %mul3A_0, %arg1 : i32
    tpu.enqueue_dma source(%arg2 : memref<16384xi32, #tpu.memory_space<hbm>>) target(%arg8 : memref<16384xi32, #tpu.memory_space<vmem>>) target_semaphore(%arg19 : memref<!tpu.dma_semaphore, #tpu.memory_space<semaphore_mem>>)
    tpu.enqueue_dma source(%arg4 : memref<16384xi32, #tpu.memory_space<hbm>>) target(%arg9 : memref<16384xi32, #tpu.memory_space<vmem>>) target_semaphore(%arg20 : memref<!tpu.dma_semaphore, #tpu.memory_space<semaphore_mem>>)
    %broadcast_in_dim3A = arith.constant 0 : i32
    %broadcast_in_dim3A_1 = vector.broadcast %broadcast_in_dim3A : i32 to vector<16xi32>
    %parallel_loop3A = arith.constant 0 : i32
    %parallel_loop3A_2 = arith.constant 65536 : i32
    %parallel_loop3A_3 = arith.constant 16 : i32
    scf.for %parallel_loop3A_20 = %parallel_loop3A to %parallel_loop3A_2 step %parallel_loop3A_3  : i32 {
      %parallel_loop3A_21 = arith.index_cast %parallel_loop3A_20 : i32 to index
      %parallel_loop3A_22 = tpu.vector_load %arg10[%parallel_loop3A_21] {strides = array<i32>} : memref<65536xi32, #tpu.memory_space<vmem>>, vector<16xi32>,
      tpu.vector_store %arg10[%parallel_loop3A_21], %broadcast_in_dim3A_1 {strides = array<i32>} : memref<65536xi32, #tpu.memory_space<vmem>>, vector<16xi32>,
    } {sc.loop_unroll_factor = 8 : i64, sc.parallel_access}
    tpu.wait_dma2 semaphore(%arg19 : memref<!tpu.dma_semaphore, #tpu.memory_space<semaphore_mem>>) src(%arg2 : memref<16384xi32, #tpu.memory_space<hbm>>) dst(%arg8 : memref<16384xi32, #tpu.memory_space<vmem>>)
    %iota3A = tpu.iota {dimensions = array<i32: 0>} : vector<16xi32>
    %scan3A = arith.constant 0 : i32
    %scan3A_4 = arith.constant 0 : i32
    %scan3A_5 = arith.constant 256 : i32
    %scan3A_6 = arith.addi %scan3A_4, %scan3A_5 : i32
    %scan3A_7 = arith.constant 1 : i32
    scf.for %scan3A_20 = %scan3A_4 to %scan3A_6 step %scan3A_7  : i32 {
      %mul3A_21 = arith.constant 4 : i32
      %mul3A_22 = arith.muli %scan3A_20, %mul3A_21 : i32
      %add3A_23 = arith.constant 0 : i32
      %add3A_24 = arith.addi %mul3A_22, %add3A_23 : i32
      %mul3A_25 = arith.constant 16 : i32
      %mul3A_26 = arith.muli %add3A_24, %mul3A_25 : i32
      %get3A = arith.index_cast %mul3A_26 : i32 to index
      %get3A_27 = tpu.vector_load %arg8[%get3A] {strides = array<i32>} : memref<16384xi32, #tpu.memory_space<vmem>>, vector<16xi32>,
      %shift_right_arithmetic3A = arith.constant 16 : i32
      %shift_right_arithmetic3A_28 = vector.broadcast %shift_right_arithmetic3A : i32 to vector<16xi32>
      %shift_right_arithmetic3A_29 = arith.shrsi %get3A_27, %shift_right_arithmetic3A_28 : vector<16xi32>
      %eq3A = vector.broadcast %arg1 : i32 to vector<16xi32>
      %eq3A_30 = arith.cmpi eq, %shift_right_arithmetic3A_29, %eq3A : vector<16xi32>
      %and3A = arith.constant 65535 : i32
      %and3A_31 = vector.broadcast %and3A : i32 to vector<16xi32>
      %and3A_32 = arith.andi %get3A_27, %and3A_31 : vector<16xi32>
      %unique3A, %unique3A_33 = tpu.scan_count mask(%eq3A_30 : vector<16xi1>) value(%and3A_32 : vector<16xi32>) : vector<16xi1>, vector<16xi32>
      %mul3A_34 = arith.constant 16 : i32
      %mul3A_35 = arith.muli %add3A_24, %mul3A_34 : i32
      %add3A_36 = vector.broadcast %mul3A_35 : i32 to vector<16xi32>
      %add3A_37 = arith.addi %add3A_36, %iota3A : vector<16xi32>
      %add3A_38 = arith.constant 1 : i32
      %add3A_39 = vector.broadcast %add3A_38 : i32 to vector<16xi32>
      %add3A_40 = arith.addi %add3A_37, %add3A_39 : vector<16xi32>
      %and3A_41 = arith.andi %unique3A, %eq3A_30 : vector<16xi1>
      tpu.vector_store_idx %arg10[%and3A_32], %add3A_40 masked %and3A_41 : memref<65536xi32, #tpu.memory_space<vmem>>[vector<16xi32>], vector<16xi32>, vector<16xi1>
      %mul3A_42 = arith.constant 4 : i32
      %mul3A_43 = arith.muli %scan3A_20, %mul3A_42 : i32
      %add3A_44 = arith.constant 1 : i32
      %add3A_45 = arith.addi %mul3A_43, %add3A_44 : i32
      %mul3A_46 = arith.constant 16 : i32
      %mul3A_47 = arith.muli %add3A_45, %mul3A_46 : i32
      %get3A_48 = arith.index_cast %mul3A_47 : i32 to index
      %get3A_49 = tpu.vector_load %arg8[%get3A_48] {strides = array<i32>} : memref<16384xi32, #tpu.memory_space<vmem>>, vector<16xi32>,
      %shift_right_arithmetic3A_50 = arith.constant 16 : i32
      %shift_right_arithmetic3A_51 = vector.broadcast %shift_right_arithmetic3A_50 : i32 to vector<16xi32>
      %shift_right_arithmetic3A_52 = arith.shrsi %get3A_49, %shift_right_arithmetic3A_51 : vector<16xi32>
      %eq3A_53 = vector.broadcast %arg1 : i32 to vector<16xi32>
      %eq3A_54 = arith.cmpi eq, %shift_right_arithmetic3A_52, %eq3A_53 : vector<16xi32>
      %and3A_55 = arith.constant 65535 : i32
      %and3A_56 = vector.broadcast %and3A_55 : i32 to vector<16xi32>
      %and3A_57 = arith.andi %get3A_49, %and3A_56 : vector<16xi32>
      %unique3A_58, %unique3A_59 = tpu.scan_count mask(%eq3A_54 : vector<16xi1>) value(%and3A_57 : vector<16xi32>) : vector<16xi1>, vector<16xi32>
      %mul3A_60 = arith.constant 16 : i32
      %mul3A_61 = arith.muli %add3A_45, %mul3A_60 : i32
      %add3A_62 = vector.broadcast %mul3A_61 : i32 to vector<16xi32>
      %add3A_63 = arith.addi %add3A_62, %iota3A : vector<16xi32>
      %add3A_64 = arith.constant 1 : i32
      %add3A_65 = vector.broadcast %add3A_64 : i32 to vector<16xi32>
      %add3A_66 = arith.addi %add3A_63, %add3A_65 : vector<16xi32>
      %and3A_67 = arith.andi %unique3A_58, %eq3A_54 : vector<16xi1>
      tpu.vector_store_idx %arg10[%and3A_57], %add3A_66 masked %and3A_67 : memref<65536xi32, #tpu.memory_space<vmem>>[vector<16xi32>], vector<16xi32>, vector<16xi1>
      %mul3A_68 = arith.constant 4 : i32
      %mul3A_69 = arith.muli %scan3A_20, %mul3A_68 : i32
      %add3A_70 = arith.constant 2 : i32
      %add3A_71 = arith.addi %mul3A_69, %add3A_70 : i32
      %mul3A_72 = arith.constant 16 : i32
      %mul3A_73 = arith.muli %add3A_71, %mul3A_72 : i32
      %get3A_74 = arith.index_cast %mul3A_73 : i32 to index
      %get3A_75 = tpu.vector_load %arg8[%get3A_74] {strides = array<i32>} : memref<16384xi32, #tpu.memory_space<vmem>>, vector<16xi32>,
      %shift_right_arithmetic3A_76 = arith.constant 16 : i32
      %shift_right_arithmetic3A_77 = vector.broadcast %shift_right_arithmetic3A_76 : i32 to vector<16xi32>
      %shift_right_arithmetic3A_78 = arith.shrsi %get3A_75, %shift_right_arithmetic3A_77 : vector<16xi32>
      %eq3A_79 = vector.broadcast %arg1 : i32 to vector<16xi32>
      %eq3A_80 = arith.cmpi eq, %shift_right_arithmetic3A_78, %eq3A_79 : vector<16xi32>
      %and3A_81 = arith.constant 65535 : i32
      %and3A_82 = vector.broadcast %and3A_81 : i32 to vector<16xi32>
      %and3A_83 = arith.andi %get3A_75, %and3A_82 : vector<16xi32>
      %unique3A_84, %unique3A_85 = tpu.scan_count mask(%eq3A_80 : vector<16xi1>) value(%and3A_83 : vector<16xi32>) : vector<16xi1>, vector<16xi32>
      %mul3A_86 = arith.constant 16 : i32
      %mul3A_87 = arith.muli %add3A_71, %mul3A_86 : i32
      %add3A_88 = vector.broadcast %mul3A_87 : i32 to vector<16xi32>
      %add3A_89 = arith.addi %add3A_88, %iota3A : vector<16xi32>
      %add3A_90 = arith.constant 1 : i32
      %add3A_91 = vector.broadcast %add3A_90 : i32 to vector<16xi32>
      %add3A_92 = arith.addi %add3A_89, %add3A_91 : vector<16xi32>
      %and3A_93 = arith.andi %unique3A_84, %eq3A_80 : vector<16xi1>
      tpu.vector_store_idx %arg10[%and3A_83], %add3A_92 masked %and3A_93 : memref<65536xi32, #tpu.memory_space<vmem>>[vector<16xi32>], vector<16xi32>, vector<16xi1>
      %mul3A_94 = arith.constant 4 : i32
      %mul3A_95 = arith.muli %scan3A_20, %mul3A_94 : i32
      %add3A_96 = arith.constant 3 : i32
      %add3A_97 = arith.addi %mul3A_95, %add3A_96 : i32
      %mul3A_98 = arith.constant 16 : i32
      %mul3A_99 = arith.muli %add3A_97, %mul3A_98 : i32
      %get3A_100 = arith.index_cast %mul3A_99 : i32 to index
      %get3A_101 = tpu.vector_load %arg8[%get3A_100] {strides = array<i32>} : memref<16384xi32, #tpu.memory_space<vmem>>, vector<16xi32>,
      %shift_right_arithmetic3A_102 = arith.constant 16 : i32
      %shift_right_arithmetic3A_103 = vector.broadcast %shift_right_arithmetic3A_102 : i32 to vector<16xi32>
      %shift_right_arithmetic3A_104 = arith.shrsi %get3A_101, %shift_right_arithmetic3A_103 : vector<16xi32>
      %eq3A_105 = vector.broadcast %arg1 : i32 to vector<16xi32>
      %eq3A_106 = arith.cmpi eq, %shift_right_arithmetic3A_104, %eq3A_105 : vector<16xi32>
      %and3A_107 = arith.constant 65535 : i32
      %and3A_108 = vector.broadcast %and3A_107 : i32 to vector<16xi32>
      %and3A_109 = arith.andi %get3A_101, %and3A_108 : vector<16xi32>
      %unique3A_110, %unique3A_111 = tpu.scan_count mask(%eq3A_106 : vector<16xi1>) value(%and3A_109 : vector<16xi32>) : vector<16xi1>, vector<16xi32>
      %mul3A_112 = arith.constant 16 : i32
      %mul3A_113 = arith.muli %add3A_97, %mul3A_112 : i32
      %add3A_114 = vector.broadcast %mul3A_113 : i32 to vector<16xi32>
      %add3A_115 = arith.addi %add3A_114, %iota3A : vector<16xi32>
      %add3A_116 = arith.constant 1 : i32
      %add3A_117 = vector.broadcast %add3A_116 : i32 to vector<16xi32>
      %add3A_118 = arith.addi %add3A_115, %add3A_117 : vector<16xi32>
      %and3A_119 = arith.andi %unique3A_110, %eq3A_106 : vector<16xi1>
      tpu.vector_store_idx %arg10[%and3A_109], %add3A_118 masked %and3A_119 : memref<65536xi32, #tpu.memory_space<vmem>>[vector<16xi32>], vector<16xi32>, vector<16xi1>
    }
    %scan3A_8 = arith.constant 256 : i32
    %mul3A_9 = arith.constant 16 : i32
    %mul3A_10 = arith.muli %arg0, %mul3A_9 : i32
    %add3A_11 = arith.addi %mul3A_10, %arg1 : i32
    %mul3A_12 = arith.constant 65536 : i32
    %mul3A_13 = arith.muli %add3A_11, %mul3A_12 : i32
    "tpu.region"() ({
      %run_scoped3A = tpu.sem_alloc : memref<!tpu.dma_semaphore, #tpu.memory_space<semaphore_mem>>
      %dma_start3A = tpu.memref_slice %arg11[%mul3A_13] : memref<1048576xi32, #tpu.memory_space<hbm>> -> memref<65536xi32, #tpu.memory_space<hbm>>
      %dma_start3A_20 = tpu.memref_slice %arg11[%mul3A_13] : memref<1048576xi32, #tpu.memory_space<hbm>> -> memref<65536xi32, #tpu.memory_space<hbm>>
      tpu.enqueue_dma source(%arg10 : memref<65536xi32, #tpu.memory_space<vmem>>) target(%dma_start3A_20 : memref<65536xi32, #tpu.memory_space<hbm>>) target_semaphore(%run_scoped3A : memref<!tpu.dma_semaphore, #tpu.memory_space<semaphore_mem>>)
      %dma_wait3A = tpu.memref_slice %arg11[%mul3A_13] : memref<1048576xi32, #tpu.memory_space<hbm>> -> memref<65536xi32, #tpu.memory_space<hbm>>
      %dma_wait3A_21 = tpu.memref_slice %arg11[%mul3A_13] : memref<1048576xi32, #tpu.memory_space<hbm>> -> memref<65536xi32, #tpu.memory_space<hbm>>
      tpu.wait_dma2 semaphore(%run_scoped3A : memref<!tpu.dma_semaphore, #tpu.memory_space<semaphore_mem>>) src(%arg10 : memref<65536xi32, #tpu.memory_space<vmem>>) dst(%dma_wait3A_21 : memref<65536xi32, #tpu.memory_space<hbm>>)
      tpu.yield
    }) : () -> ()
    %barrier3A = arith.constant 0 : index
    tpu.barrier barrier_id(%barrier3A)
    tpu.wait_dma2 semaphore(%arg20 : memref<!tpu.dma_semaphore, #tpu.memory_space<semaphore_mem>>) src(%arg4 : memref<16384xi32, #tpu.memory_space<hbm>>) dst(%arg9 : memref<16384xi32, #tpu.memory_space<vmem>>)
    %scan3A_14 = arith.constant 0 : i32
    %scan3A_15 = arith.constant 0 : i32
    %scan3A_16 = arith.constant 8 : i32
    %scan3A_17 = arith.addi %scan3A_15, %scan3A_16 : i32
    %scan3A_18 = arith.constant 1 : i32
    scf.for %scan3A_20 = %scan3A_15 to %scan3A_17 step %scan3A_18  : i32 {
      %mul3A_21 = arith.constant 1024 : i32
      %mul3A_22 = arith.muli %add3A, %mul3A_21 : i32
      %mul3A_23 = arith.constant 128 : i32
      %mul3A_24 = arith.muli %scan3A_20, %mul3A_23 : i32
      %add3A_25 = arith.addi %mul3A_22, %mul3A_24 : i32
      "tpu.region"() ({
        %run_scoped3A = tpu.sem_alloc : memref<!tpu.dma_semaphore, #tpu.memory_space<semaphore_mem>>
        %dma_start3A_405 = tpu.memref_slice %arg5[%add3A_25] : memref<16384xi32, #tpu.memory_space<hbm>> -> memref<128xi32, #tpu.memory_space<hbm>>
        %dma_start3A_406 = tpu.memref_slice %arg5[%add3A_25] : memref<16384xi32, #tpu.memory_space<hbm>> -> memref<128xi32, #tpu.memory_space<hbm>>
        tpu.enqueue_dma source(%dma_start3A_406 : memref<128xi32, #tpu.memory_space<hbm>>) target(%arg12 : memref<128xi32, #tpu.memory_space<vmem>>) target_semaphore(%run_scoped3A : memref<!tpu.dma_semaphore, #tpu.memory_space<semaphore_mem>>)
        %dma_wait3A_407 = tpu.memref_slice %arg5[%add3A_25] : memref<16384xi32, #tpu.memory_space<hbm>> -> memref<128xi32, #tpu.memory_space<hbm>>
        %dma_wait3A_408 = tpu.memref_slice %arg5[%add3A_25] : memref<16384xi32, #tpu.memory_space<hbm>> -> memref<128xi32, #tpu.memory_space<hbm>>
        tpu.wait_dma2 semaphore(%run_scoped3A : memref<!tpu.dma_semaphore, #tpu.memory_space<semaphore_mem>>) src(%dma_wait3A_408 : memref<128xi32, #tpu.memory_space<hbm>>) dst(%arg12 : memref<128xi32, #tpu.memory_space<vmem>>)
        tpu.yield
      }) : () -> ()
      %get3A = arith.constant 0 : index
      %get3A_26 = tpu.vector_load %arg12[%get3A] {strides = array<i32>} : memref<128xi32, #tpu.memory_space<vmem>>, vector<16xi32>,
      %mul3A_27 = arith.constant 1048576 : i32
      %mul3A_28 = arith.muli %arg0, %mul3A_27 : i32
      %add3A_29 = vector.broadcast %mul3A_28 : i32 to vector<16xi32>
      %add3A_30 = arith.addi %get3A_26, %add3A_29 : vector<16xi32>
      %swap3A = arith.constant 0 : index
      %swap3A_31 = tpu.vector_load %arg14[%swap3A] {strides = array<i32>} : memref<128xi32, #tpu.memory_space<vmem>>, vector<16xi32>,
      tpu.vector_store %arg14[%swap3A], %add3A_30 {strides = array<i32>} : memref<128xi32, #tpu.memory_space<vmem>>, vector<16xi32>,
      %get3A_32 = arith.constant 16 : index
      %get3A_33 = tpu.vector_load %arg12[%get3A_32] {strides = array<i32>} : memref<128xi32, #tpu.memory_space<vmem>>, vector<16xi32>,
      %mul3A_34 = arith.constant 1048576 : i32
      %mul3A_35 = arith.muli %arg0, %mul3A_34 : i32
      %add3A_36 = vector.broadcast %mul3A_35 : i32 to vector<16xi32>
      %add3A_37 = arith.addi %get3A_33, %add3A_36 : vector<16xi32>
      %swap3A_38 = arith.constant 16 : index
      %swap3A_39 = tpu.vector_load %arg14[%swap3A_38] {strides = array<i32>} : memref<128xi32, #tpu.memory_space<vmem>>, vector<16xi32>,
      tpu.vector_store %arg14[%swap3A_38], %add3A_37 {strides = array<i32>} : memref<128xi32, #tpu.memory_space<vmem>>, vector<16xi32>,
      %get3A_40 = arith.constant 32 : index
      %get3A_41 = tpu.vector_load %arg12[%get3A_40] {strides = array<i32>} : memref<128xi32, #tpu.memory_space<vmem>>, vector<16xi32>,
      %mul3A_42 = arith.constant 1048576 : i32
      %mul3A_43 = arith.muli %arg0, %mul3A_42 : i32
      %add3A_44 = vector.broadcast %mul3A_43 : i32 to vector<16xi32>
      %add3A_45 = arith.addi %get3A_41, %add3A_44 : vector<16xi32>
      %swap3A_46 = arith.constant 32 : index
      %swap3A_47 = tpu.vector_load %arg14[%swap3A_46] {strides = array<i32>} : memref<128xi32, #tpu.memory_space<vmem>>, vector<16xi32>,
      tpu.vector_store %arg14[%swap3A_46], %add3A_45 {strides = array<i32>} : memref<128xi32, #tpu.memory_space<vmem>>, vector<16xi32>,
      %get3A_48 = arith.constant 48 : index
      %get3A_49 = tpu.vector_load %arg12[%get3A_48] {strides = array<i32>} : memref<128xi32, #tpu.memory_space<vmem>>, vector<16xi32>,
      %mul3A_50 = arith.constant 1048576 : i32
      %mul3A_51 = arith.muli %arg0, %mul3A_50 : i32
      %add3A_52 = vector.broadcast %mul3A_51 : i32 to vector<16xi32>
      %add3A_53 = arith.addi %get3A_49, %add3A_52 : vector<16xi32>
      %swap3A_54 = arith.constant 48 : index
      %swap3A_55 = tpu.vector_load %arg14[%swap3A_54] {strides = array<i32>} : memref<128xi32, #tpu.memory_space<vmem>>, vector<16xi32>,
      tpu.vector_store %arg14[%swap3A_54], %add3A_53 {strides = array<i32>} : memref<128xi32, #tpu.memory_space<vmem>>, vector<16xi32>,
      %get3A_56 = arith.constant 64 : index
      %get3A_57 = tpu.vector_load %arg12[%get3A_56] {strides = array<i32>} : memref<128xi32, #tpu.memory_space<vmem>>, vector<16xi32>,
      %mul3A_58 = arith.constant 1048576 : i32
      %mul3A_59 = arith.muli %arg0, %mul3A_58 : i32
      %add3A_60 = vector.broadcast %mul3A_59 : i32 to vector<16xi32>
      %add3A_61 = arith.addi %get3A_57, %add3A_60 : vector<16xi32>
      %swap3A_62 = arith.constant 64 : index
      %swap3A_63 = tpu.vector_load %arg14[%swap3A_62] {strides = array<i32>} : memref<128xi32, #tpu.memory_space<vmem>>, vector<16xi32>,
      tpu.vector_store %arg14[%swap3A_62], %add3A_61 {strides = array<i32>} : memref<128xi32, #tpu.memory_space<vmem>>, vector<16xi32>,
      %get3A_64 = arith.constant 80 : index
      %get3A_65 = tpu.vector_load %arg12[%get3A_64] {strides = array<i32>} : memref<128xi32, #tpu.memory_space<vmem>>, vector<16xi32>,
      %mul3A_66 = arith.constant 1048576 : i32
      %mul3A_67 = arith.muli %arg0, %mul3A_66 : i32
      %add3A_68 = vector.broadcast %mul3A_67 : i32 to vector<16xi32>
      %add3A_69 = arith.addi %get3A_65, %add3A_68 : vector<16xi32>
      %swap3A_70 = arith.constant 80 : index
      %swap3A_71 = tpu.vector_load %arg14[%swap3A_70] {strides = array<i32>} : memref<128xi32, #tpu.memory_space<vmem>>, vector<16xi32>,
      tpu.vector_store %arg14[%swap3A_70], %add3A_69 {strides = array<i32>} : memref<128xi32, #tpu.memory_space<vmem>>, vector<16xi32>,
      %get3A_72 = arith.constant 96 : index
      %get3A_73 = tpu.vector_load %arg12[%get3A_72] {strides = array<i32>} : memref<128xi32, #tpu.memory_space<vmem>>, vector<16xi32>,
      %mul3A_74 = arith.constant 1048576 : i32
      %mul3A_75 = arith.muli %arg0, %mul3A_74 : i32
      %add3A_76 = vector.broadcast %mul3A_75 : i32 to vector<16xi32>
      %add3A_77 = arith.addi %get3A_73, %add3A_76 : vector<16xi32>
      %swap3A_78 = arith.constant 96 : index
      %swap3A_79 = tpu.vector_load %arg14[%swap3A_78] {strides = array<i32>} : memref<128xi32, #tpu.memory_space<vmem>>, vector<16xi32>,
      tpu.vector_store %arg14[%swap3A_78], %add3A_77 {strides = array<i32>} : memref<128xi32, #tpu.memory_space<vmem>>, vector<16xi32>,
      %get3A_80 = arith.constant 112 : index
      %get3A_81 = tpu.vector_load %arg12[%get3A_80] {strides = array<i32>} : memref<128xi32, #tpu.memory_space<vmem>>, vector<16xi32>,
      %mul3A_82 = arith.constant 1048576 : i32
      %mul3A_83 = arith.muli %arg0, %mul3A_82 : i32
      %add3A_84 = vector.broadcast %mul3A_83 : i32 to vector<16xi32>
      %add3A_85 = arith.addi %get3A_81, %add3A_84 : vector<16xi32>
      %swap3A_86 = arith.constant 112 : index
      %swap3A_87 = tpu.vector_load %arg14[%swap3A_86] {strides = array<i32>} : memref<128xi32, #tpu.memory_space<vmem>>, vector<16xi32>,
      tpu.vector_store %arg14[%swap3A_86], %add3A_85 {strides = array<i32>} : memref<128xi32, #tpu.memory_space<vmem>>, vector<16xi32>,
      %dma_start3A = arith.constant 0 : i32
      %dma_start3A_88 = tpu.memref_slice %arg11[%dma_start3A] : memref<1048576xi32, #tpu.memory_space<hbm>> -> memref<1048576xi32, #tpu.memory_space<hbm>>
      tpu.enqueue_indirect_dma source(%dma_start3A_88 : memref<1048576xi32, #tpu.memory_space<hbm>>) target(%arg13 : memref<128xi32, #tpu.memory_space<vmem>>) offsets(%arg14 : memref<128xi32, #tpu.memory_space<vmem>>) semaphore(%arg18 : memref<!tpu.dma_semaphore, #tpu.memory_space<semaphore_mem>>)
      %dma_wait3A = arith.constant 0 : i32
      %dma_wait3A_89 = tpu.memref_slice %arg11[%dma_wait3A] : memref<1048576xi32, #tpu.memory_space<hbm>> -> memref<1048576xi32, #tpu.memory_space<hbm>>
      tpu.wait_indirect_dma semaphore(%arg18 : memref<!tpu.dma_semaphore, #tpu.memory_space<semaphore_mem>>) src(%dma_wait3A_89 : memref<1048576xi32, #tpu.memory_space<hbm>>) dst(%arg13 : memref<128xi32, #tpu.memory_space<vmem>>)
      %get3A_90 = arith.constant 0 : index
      %get3A_91 = tpu.vector_load %arg13[%get3A_90] {strides = array<i32>} : memref<128xi32, #tpu.memory_space<vmem>>, vector<16xi32>,
      %gt3A = arith.constant 0 : i32
      %gt3A_92 = vector.broadcast %gt3A : i32 to vector<16xi32>
      %gt3A_93 = arith.cmpi sgt, %get3A_91, %gt3A_92 : vector<16xi32>
      %sub3A = arith.constant 1 : i32
      %sub3A_94 = vector.broadcast %sub3A : i32 to vector<16xi32>
      %sub3A_95 = arith.subi %get3A_91, %sub3A_94 : vector<16xi32>
      %add3A_96 = arith.constant 0 : i32
      %add3A_97 = arith.addi %add3A_25, %add3A_96 : i32
      %add3A_98 = vector.broadcast %add3A_97 : i32 to vector<16xi32>
      %add3A_99 = arith.addi %add3A_98, %iota3A : vector<16xi32>
      %select_n3A = arith.select %gt3A_93, %sub3A_95, %add3A_99 : vector<16xi1>, vector<16xi32>
      %swap3A_100 = arith.constant 0 : index
      %swap3A_101 = tpu.vector_load %arg14[%swap3A_100] {strides = array<i32>} : memref<128xi32, #tpu.memory_space<vmem>>, vector<16xi32>,
      tpu.vector_store %arg14[%swap3A_100], %select_n3A {strides = array<i32>} : memref<128xi32, #tpu.memory_space<vmem>>, vector<16xi32>,
      %jit3A = arith.constant 1.000000e+00 : f32
      %jit3A_102 = arith.constant 0.000000e+00 : f32
      %broadcast_in_dim3A_103 = vector.broadcast %jit3A : f32 to vector<16xf32>
      %broadcast_in_dim3A_104 = vector.broadcast %jit3A_102 : f32 to vector<16xf32>
      %select_n3A_105 = arith.select %gt3A_93, %broadcast_in_dim3A_103, %broadcast_in_dim3A_104 : vector<16xi1>, vector<16xf32>
      %swap3A_106 = arith.constant 0 : index
      %swap3A_107 = tpu.vector_load %arg15[%swap3A_106] {strides = array<i32>} : memref<128xf32, #tpu.memory_space<vmem>>, vector<16xf32>,
      tpu.vector_store %arg15[%swap3A_106], %select_n3A_105 {strides = array<i32>} : memref<128xf32, #tpu.memory_space<vmem>>, vector<16xf32>,
      %get3A_108 = arith.constant 16 : index
      %get3A_109 = tpu.vector_load %arg13[%get3A_108] {strides = array<i32>} : memref<128xi32, #tpu.memory_space<vmem>>, vector<16xi32>,
      %gt3A_110 = arith.constant 0 : i32
      %gt3A_111 = vector.broadcast %gt3A_110 : i32 to vector<16xi32>
      %gt3A_112 = arith.cmpi sgt, %get3A_109, %gt3A_111 : vector<16xi32>
      %sub3A_113 = arith.constant 1 : i32
      %sub3A_114 = vector.broadcast %sub3A_113 : i32 to vector<16xi32>
      %sub3A_115 = arith.subi %get3A_109, %sub3A_114 : vector<16xi32>
      %add3A_116 = arith.constant 16 : i32
      %add3A_117 = arith.addi %add3A_25, %add3A_116 : i32
      %add3A_118 = vector.broadcast %add3A_117 : i32 to vector<16xi32>
      %add3A_119 = arith.addi %add3A_118, %iota3A : vector<16xi32>
      %select_n3A_120 = arith.select %gt3A_112, %sub3A_115, %add3A_119 : vector<16xi1>, vector<16xi32>
      %swap3A_121 = arith.constant 16 : index
      %swap3A_122 = tpu.vector_load %arg14[%swap3A_121] {strides = array<i32>} : memref<128xi32, #tpu.memory_space<vmem>>, vector<16xi32>,
      tpu.vector_store %arg14[%swap3A_121], %select_n3A_120 {strides = array<i32>} : memref<128xi32, #tpu.memory_space<vmem>>, vector<16xi32>,
      %jit3A_123 = arith.constant 1.000000e+00 : f32
      %jit3A_124 = arith.constant 0.000000e+00 : f32
      %broadcast_in_dim3A_125 = vector.broadcast %jit3A_123 : f32 to vector<16xf32>
      %broadcast_in_dim3A_126 = vector.broadcast %jit3A_124 : f32 to vector<16xf32>
      %select_n3A_127 = arith.select %gt3A_112, %broadcast_in_dim3A_125, %broadcast_in_dim3A_126 : vector<16xi1>, vector<16xf32>
      %swap3A_128 = arith.constant 16 : index
      %swap3A_129 = tpu.vector_load %arg15[%swap3A_128] {strides = array<i32>} : memref<128xf32, #tpu.memory_space<vmem>>, vector<16xf32>,
      tpu.vector_store %arg15[%swap3A_128], %select_n3A_127 {strides = array<i32>} : memref<128xf32, #tpu.memory_space<vmem>>, vector<16xf32>,
      %get3A_130 = arith.constant 32 : index
      %get3A_131 = tpu.vector_load %arg13[%get3A_130] {strides = array<i32>} : memref<128xi32, #tpu.memory_space<vmem>>, vector<16xi32>,
      %gt3A_132 = arith.constant 0 : i32
      %gt3A_133 = vector.broadcast %gt3A_132 : i32 to vector<16xi32>
      %gt3A_134 = arith.cmpi sgt, %get3A_131, %gt3A_133 : vector<16xi32>
      %sub3A_135 = arith.constant 1 : i32
      %sub3A_136 = vector.broadcast %sub3A_135 : i32 to vector<16xi32>
      %sub3A_137 = arith.subi %get3A_131, %sub3A_136 : vector<16xi32>
      %add3A_138 = arith.constant 32 : i32
      %add3A_139 = arith.addi %add3A_25, %add3A_138 : i32
      %add3A_140 = vector.broadcast %add3A_139 : i32 to vector<16xi32>
      %add3A_141 = arith.addi %add3A_140, %iota3A : vector<16xi32>
      %select_n3A_142 = arith.select %gt3A_134, %sub3A_137, %add3A_141 : vector<16xi1>, vector<16xi32>
      %swap3A_143 = arith.constant 32 : index
      %swap3A_144 = tpu.vector_load %arg14[%swap3A_143] {strides = array<i32>} : memref<128xi32, #tpu.memory_space<vmem>>, vector<16xi32>,
      tpu.vector_store %arg14[%swap3A_143], %select_n3A_142 {strides = array<i32>} : memref<128xi32, #tpu.memory_space<vmem>>, vector<16xi32>,
      %jit3A_145 = arith.constant 1.000000e+00 : f32
      %jit3A_146 = arith.constant 0.000000e+00 : f32
      %broadcast_in_dim3A_147 = vector.broadcast %jit3A_145 : f32 to vector<16xf32>
      %broadcast_in_dim3A_148 = vector.broadcast %jit3A_146 : f32 to vector<16xf32>
      %select_n3A_149 = arith.select %gt3A_134, %broadcast_in_dim3A_147, %broadcast_in_dim3A_148 : vector<16xi1>, vector<16xf32>
      %swap3A_150 = arith.constant 32 : index
      %swap3A_151 = tpu.vector_load %arg15[%swap3A_150] {strides = array<i32>} : memref<128xf32, #tpu.memory_space<vmem>>, vector<16xf32>,
      tpu.vector_store %arg15[%swap3A_150], %select_n3A_149 {strides = array<i32>} : memref<128xf32, #tpu.memory_space<vmem>>, vector<16xf32>,
      %get3A_152 = arith.constant 48 : index
      %get3A_153 = tpu.vector_load %arg13[%get3A_152] {strides = array<i32>} : memref<128xi32, #tpu.memory_space<vmem>>, vector<16xi32>,
      %gt3A_154 = arith.constant 0 : i32
      %gt3A_155 = vector.broadcast %gt3A_154 : i32 to vector<16xi32>
      %gt3A_156 = arith.cmpi sgt, %get3A_153, %gt3A_155 : vector<16xi32>
      %sub3A_157 = arith.constant 1 : i32
      %sub3A_158 = vector.broadcast %sub3A_157 : i32 to vector<16xi32>
      %sub3A_159 = arith.subi %get3A_153, %sub3A_158 : vector<16xi32>
      %add3A_160 = arith.constant 48 : i32
      %add3A_161 = arith.addi %add3A_25, %add3A_160 : i32
      %add3A_162 = vector.broadcast %add3A_161 : i32 to vector<16xi32>
      %add3A_163 = arith.addi %add3A_162, %iota3A : vector<16xi32>
      %select_n3A_164 = arith.select %gt3A_156, %sub3A_159, %add3A_163 : vector<16xi1>, vector<16xi32>
      %swap3A_165 = arith.constant 48 : index
      %swap3A_166 = tpu.vector_load %arg14[%swap3A_165] {strides = array<i32>} : memref<128xi32, #tpu.memory_space<vmem>>, vector<16xi32>,
      tpu.vector_store %arg14[%swap3A_165], %select_n3A_164 {strides = array<i32>} : memref<128xi32, #tpu.memory_space<vmem>>, vector<16xi32>,
      %jit3A_167 = arith.constant 1.000000e+00 : f32
      %jit3A_168 = arith.constant 0.000000e+00 : f32
      %broadcast_in_dim3A_169 = vector.broadcast %jit3A_167 : f32 to vector<16xf32>
      %broadcast_in_dim3A_170 = vector.broadcast %jit3A_168 : f32 to vector<16xf32>
      %select_n3A_171 = arith.select %gt3A_156, %broadcast_in_dim3A_169, %broadcast_in_dim3A_170 : vector<16xi1>, vector<16xf32>
      %swap3A_172 = arith.constant 48 : index
      %swap3A_173 = tpu.vector_load %arg15[%swap3A_172] {strides = array<i32>} : memref<128xf32, #tpu.memory_space<vmem>>, vector<16xf32>,
      tpu.vector_store %arg15[%swap3A_172], %select_n3A_171 {strides = array<i32>} : memref<128xf32, #tpu.memory_space<vmem>>, vector<16xf32>,
      %get3A_174 = arith.constant 64 : index
      %get3A_175 = tpu.vector_load %arg13[%get3A_174] {strides = array<i32>} : memref<128xi32, #tpu.memory_space<vmem>>, vector<16xi32>,
      %gt3A_176 = arith.constant 0 : i32
      %gt3A_177 = vector.broadcast %gt3A_176 : i32 to vector<16xi32>
      %gt3A_178 = arith.cmpi sgt, %get3A_175, %gt3A_177 : vector<16xi32>
      %sub3A_179 = arith.constant 1 : i32
      %sub3A_180 = vector.broadcast %sub3A_179 : i32 to vector<16xi32>
      %sub3A_181 = arith.subi %get3A_175, %sub3A_180 : vector<16xi32>
      %add3A_182 = arith.constant 64 : i32
      %add3A_183 = arith.addi %add3A_25, %add3A_182 : i32
      %add3A_184 = vector.broadcast %add3A_183 : i32 to vector<16xi32>
      %add3A_185 = arith.addi %add3A_184, %iota3A : vector<16xi32>
      %select_n3A_186 = arith.select %gt3A_178, %sub3A_181, %add3A_185 : vector<16xi1>, vector<16xi32>
      %swap3A_187 = arith.constant 64 : index
      %swap3A_188 = tpu.vector_load %arg14[%swap3A_187] {strides = array<i32>} : memref<128xi32, #tpu.memory_space<vmem>>, vector<16xi32>,
      tpu.vector_store %arg14[%swap3A_187], %select_n3A_186 {strides = array<i32>} : memref<128xi32, #tpu.memory_space<vmem>>, vector<16xi32>,
      %jit3A_189 = arith.constant 1.000000e+00 : f32
      %jit3A_190 = arith.constant 0.000000e+00 : f32
      %broadcast_in_dim3A_191 = vector.broadcast %jit3A_189 : f32 to vector<16xf32>
      %broadcast_in_dim3A_192 = vector.broadcast %jit3A_190 : f32 to vector<16xf32>
      %select_n3A_193 = arith.select %gt3A_178, %broadcast_in_dim3A_191, %broadcast_in_dim3A_192 : vector<16xi1>, vector<16xf32>
      %swap3A_194 = arith.constant 64 : index
      %swap3A_195 = tpu.vector_load %arg15[%swap3A_194] {strides = array<i32>} : memref<128xf32, #tpu.memory_space<vmem>>, vector<16xf32>,
      tpu.vector_store %arg15[%swap3A_194], %select_n3A_193 {strides = array<i32>} : memref<128xf32, #tpu.memory_space<vmem>>, vector<16xf32>,
      %get3A_196 = arith.constant 80 : index
      %get3A_197 = tpu.vector_load %arg13[%get3A_196] {strides = array<i32>} : memref<128xi32, #tpu.memory_space<vmem>>, vector<16xi32>,
      %gt3A_198 = arith.constant 0 : i32
      %gt3A_199 = vector.broadcast %gt3A_198 : i32 to vector<16xi32>
      %gt3A_200 = arith.cmpi sgt, %get3A_197, %gt3A_199 : vector<16xi32>
      %sub3A_201 = arith.constant 1 : i32
      %sub3A_202 = vector.broadcast %sub3A_201 : i32 to vector<16xi32>
      %sub3A_203 = arith.subi %get3A_197, %sub3A_202 : vector<16xi32>
      %add3A_204 = arith.constant 80 : i32
      %add3A_205 = arith.addi %add3A_25, %add3A_204 : i32
      %add3A_206 = vector.broadcast %add3A_205 : i32 to vector<16xi32>
      %add3A_207 = arith.addi %add3A_206, %iota3A : vector<16xi32>
      %select_n3A_208 = arith.select %gt3A_200, %sub3A_203, %add3A_207 : vector<16xi1>, vector<16xi32>
      %swap3A_209 = arith.constant 80 : index
      %swap3A_210 = tpu.vector_load %arg14[%swap3A_209] {strides = array<i32>} : memref<128xi32, #tpu.memory_space<vmem>>, vector<16xi32>,
      tpu.vector_store %arg14[%swap3A_209], %select_n3A_208 {strides = array<i32>} : memref<128xi32, #tpu.memory_space<vmem>>, vector<16xi32>,
      %jit3A_211 = arith.constant 1.000000e+00 : f32
      %jit3A_212 = arith.constant 0.000000e+00 : f32
      %broadcast_in_dim3A_213 = vector.broadcast %jit3A_211 : f32 to vector<16xf32>
      %broadcast_in_dim3A_214 = vector.broadcast %jit3A_212 : f32 to vector<16xf32>
      %select_n3A_215 = arith.select %gt3A_200, %broadcast_in_dim3A_213, %broadcast_in_dim3A_214 : vector<16xi1>, vector<16xf32>
      %swap3A_216 = arith.constant 80 : index
      %swap3A_217 = tpu.vector_load %arg15[%swap3A_216] {strides = array<i32>} : memref<128xf32, #tpu.memory_space<vmem>>, vector<16xf32>,
      tpu.vector_store %arg15[%swap3A_216], %select_n3A_215 {strides = array<i32>} : memref<128xf32, #tpu.memory_space<vmem>>, vector<16xf32>,
      %get3A_218 = arith.constant 96 : index
      %get3A_219 = tpu.vector_load %arg13[%get3A_218] {strides = array<i32>} : memref<128xi32, #tpu.memory_space<vmem>>, vector<16xi32>,
      %gt3A_220 = arith.constant 0 : i32
      %gt3A_221 = vector.broadcast %gt3A_220 : i32 to vector<16xi32>
      %gt3A_222 = arith.cmpi sgt, %get3A_219, %gt3A_221 : vector<16xi32>
      %sub3A_223 = arith.constant 1 : i32
      %sub3A_224 = vector.broadcast %sub3A_223 : i32 to vector<16xi32>
      %sub3A_225 = arith.subi %get3A_219, %sub3A_224 : vector<16xi32>
      %add3A_226 = arith.constant 96 : i32
      %add3A_227 = arith.addi %add3A_25, %add3A_226 : i32
      %add3A_228 = vector.broadcast %add3A_227 : i32 to vector<16xi32>
      %add3A_229 = arith.addi %add3A_228, %iota3A : vector<16xi32>
      %select_n3A_230 = arith.select %gt3A_222, %sub3A_225, %add3A_229 : vector<16xi1>, vector<16xi32>
      %swap3A_231 = arith.constant 96 : index
      %swap3A_232 = tpu.vector_load %arg14[%swap3A_231] {strides = array<i32>} : memref<128xi32, #tpu.memory_space<vmem>>, vector<16xi32>,
      tpu.vector_store %arg14[%swap3A_231], %select_n3A_230 {strides = array<i32>} : memref<128xi32, #tpu.memory_space<vmem>>, vector<16xi32>,
      %jit3A_233 = arith.constant 1.000000e+00 : f32
      %jit3A_234 = arith.constant 0.000000e+00 : f32
      %broadcast_in_dim3A_235 = vector.broadcast %jit3A_233 : f32 to vector<16xf32>
      %broadcast_in_dim3A_236 = vector.broadcast %jit3A_234 : f32 to vector<16xf32>
      %select_n3A_237 = arith.select %gt3A_222, %broadcast_in_dim3A_235, %broadcast_in_dim3A_236 : vector<16xi1>, vector<16xf32>
      %swap3A_238 = arith.constant 96 : index
      %swap3A_239 = tpu.vector_load %arg15[%swap3A_238] {strides = array<i32>} : memref<128xf32, #tpu.memory_space<vmem>>, vector<16xf32>,
      tpu.vector_store %arg15[%swap3A_238], %select_n3A_237 {strides = array<i32>} : memref<128xf32, #tpu.memory_space<vmem>>, vector<16xf32>,
      %get3A_240 = arith.constant 112 : index
      %get3A_241 = tpu.vector_load %arg13[%get3A_240] {strides = array<i32>} : memref<128xi32, #tpu.memory_space<vmem>>, vector<16xi32>,
      %gt3A_242 = arith.constant 0 : i32
      %gt3A_243 = vector.broadcast %gt3A_242 : i32 to vector<16xi32>
      %gt3A_244 = arith.cmpi sgt, %get3A_241, %gt3A_243 : vector<16xi32>
      %sub3A_245 = arith.constant 1 : i32
      %sub3A_246 = vector.broadcast %sub3A_245 : i32 to vector<16xi32>
      %sub3A_247 = arith.subi %get3A_241, %sub3A_246 : vector<16xi32>
      %add3A_248 = arith.constant 112 : i32
      %add3A_249 = arith.addi %add3A_25, %add3A_248 : i32
      %add3A_250 = vector.broadcast %add3A_249 : i32 to vector<16xi32>
      %add3A_251 = arith.addi %add3A_250, %iota3A : vector<16xi32>
      %select_n3A_252 = arith.select %gt3A_244, %sub3A_247, %add3A_251 : vector<16xi1>, vector<16xi32>
      %swap3A_253 = arith.constant 112 : index
      %swap3A_254 = tpu.vector_load %arg14[%swap3A_253] {strides = array<i32>} : memref<128xi32, #tpu.memory_space<vmem>>, vector<16xi32>,
      tpu.vector_store %arg14[%swap3A_253], %select_n3A_252 {strides = array<i32>} : memref<128xi32, #tpu.memory_space<vmem>>, vector<16xi32>,
      %jit3A_255 = arith.constant 1.000000e+00 : f32
      %jit3A_256 = arith.constant 0.000000e+00 : f32
      %broadcast_in_dim3A_257 = vector.broadcast %jit3A_255 : f32 to vector<16xf32>
      %broadcast_in_dim3A_258 = vector.broadcast %jit3A_256 : f32 to vector<16xf32>
      %select_n3A_259 = arith.select %gt3A_244, %broadcast_in_dim3A_257, %broadcast_in_dim3A_258 : vector<16xi1>, vector<16xf32>
      %swap3A_260 = arith.constant 112 : index
      %swap3A_261 = tpu.vector_load %arg15[%swap3A_260] {strides = array<i32>} : memref<128xf32, #tpu.memory_space<vmem>>, vector<16xf32>,
      tpu.vector_store %arg15[%swap3A_260], %select_n3A_259 {strides = array<i32>} : memref<128xf32, #tpu.memory_space<vmem>>, vector<16xf32>,
      %dma_start3A_262 = arith.constant 0 : i32
      %dma_start3A_263 = arith.constant 0 : i32
      %dma_start3A_264 = tpu.memref_slice %arg3[%dma_start3A_262, %dma_start3A_263] : memref<16384x64xf32, #tpu.memory_space<hbm>> -> memref<16384x64xf32, #tpu.memory_space<hbm>>
      tpu.enqueue_indirect_dma source(%dma_start3A_264 : memref<16384x64xf32, #tpu.memory_space<hbm>>) target(%arg17 : memref<128x64xf32, #tpu.memory_space<vmem>>) offsets(%arg14 : memref<128xi32, #tpu.memory_space<vmem>>) semaphore(%arg18 : memref<!tpu.dma_semaphore, #tpu.memory_space<semaphore_mem>>)
      %dma_wait3A_265 = arith.constant 0 : i32
      %dma_wait3A_266 = arith.constant 0 : i32
      %dma_wait3A_267 = tpu.memref_slice %arg3[%dma_wait3A_265, %dma_wait3A_266] : memref<16384x64xf32, #tpu.memory_space<hbm>> -> memref<16384x64xf32, #tpu.memory_space<hbm>>
      tpu.wait_indirect_dma semaphore(%arg18 : memref<!tpu.dma_semaphore, #tpu.memory_space<semaphore_mem>>) src(%dma_wait3A_267 : memref<16384x64xf32, #tpu.memory_space<hbm>>) dst(%arg17 : memref<128x64xf32, #tpu.memory_space<vmem>>)
      %parallel_loop3A_268 = arith.constant 0 : i32
      %parallel_loop3A_269 = arith.constant 128 : i32
      %parallel_loop3A_270 = arith.constant 1 : i32
      scf.for %parallel_loop3A_405 = %parallel_loop3A_268 to %parallel_loop3A_269 step %parallel_loop3A_270  : i32 {
        %parallel_loop3A_406 = arith.constant 0 : i32
        %parallel_loop3A_407 = vector.broadcast %parallel_loop3A_406 : i32 to vector<16xi32>
        %parallel_loop3A_408 = vector.broadcast %parallel_loop3A_405 : i32 to vector<16xi32>
        %parallel_loop3A_409 = arith.addi %parallel_loop3A_407, %parallel_loop3A_408 : vector<16xi32>
        %parallel_loop3A_410 = tpu.vector_load_idx %arg15[%parallel_loop3A_409] : memref<128xf32, #tpu.memory_space<vmem>>[vector<16xi32>], vector<16xf32>,
        %parallel_loop3A_411 = arith.index_cast %parallel_loop3A_405 : i32 to index
        %parallel_loop3A_412 = arith.constant 0 : index
        %parallel_loop3A_413 = tpu.vector_load %arg17[%parallel_loop3A_411, %parallel_loop3A_412] {strides = array<i32>} : memref<128x64xf32, #tpu.memory_space<vmem>>, vector<16xf32>,
        %parallel_loop3A_414 = arith.mulf %parallel_loop3A_413, %parallel_loop3A_410 : vector<16xf32>
        %parallel_loop3A_415 = arith.index_cast %parallel_loop3A_405 : i32 to index
        %parallel_loop3A_416 = arith.constant 0 : index
        %parallel_loop3A_417 = tpu.vector_load %arg17[%parallel_loop3A_415, %parallel_loop3A_416] {strides = array<i32>} : memref<128x64xf32, #tpu.memory_space<vmem>>, vector<16xf32>,
        tpu.vector_store %arg17[%parallel_loop3A_415, %parallel_loop3A_416], %parallel_loop3A_414 {strides = array<i32>} : memref<128x64xf32, #tpu.memory_space<vmem>>, vector<16xf32>,
        %parallel_loop3A_418 = arith.index_cast %parallel_loop3A_405 : i32 to index
        %parallel_loop3A_419 = arith.constant 16 : index
        %parallel_loop3A_420 = tpu.vector_load %arg17[%parallel_loop3A_418, %parallel_loop3A_419] {strides = array<i32>} : memref<128x64xf32, #tpu.memory_space<vmem>>, vector<16xf32>,
        %parallel_loop3A_421 = arith.mulf %parallel_loop3A_420, %parallel_loop3A_410 : vector<16xf32>
        %parallel_loop3A_422 = arith.index_cast %parallel_loop3A_405 : i32 to index
        %parallel_loop3A_423 = arith.constant 16 : index
        %parallel_loop3A_424 = tpu.vector_load %arg17[%parallel_loop3A_422, %parallel_loop3A_423] {strides = array<i32>} : memref<128x64xf32, #tpu.memory_space<vmem>>, vector<16xf32>,
        tpu.vector_store %arg17[%parallel_loop3A_422, %parallel_loop3A_423], %parallel_loop3A_421 {strides = array<i32>} : memref<128x64xf32, #tpu.memory_space<vmem>>, vector<16xf32>,
        %parallel_loop3A_425 = arith.index_cast %parallel_loop3A_405 : i32 to index
        %parallel_loop3A_426 = arith.constant 32 : index
        %parallel_loop3A_427 = tpu.vector_load %arg17[%parallel_loop3A_425, %parallel_loop3A_426] {strides = array<i32>} : memref<128x64xf32, #tpu.memory_space<vmem>>, vector<16xf32>,
        %parallel_loop3A_428 = arith.mulf %parallel_loop3A_427, %parallel_loop3A_410 : vector<16xf32>
        %parallel_loop3A_429 = arith.index_cast %parallel_loop3A_405 : i32 to index
        %parallel_loop3A_430 = arith.constant 32 : index
        %parallel_loop3A_431 = tpu.vector_load %arg17[%parallel_loop3A_429, %parallel_loop3A_430] {strides = array<i32>} : memref<128x64xf32, #tpu.memory_space<vmem>>, vector<16xf32>,
        tpu.vector_store %arg17[%parallel_loop3A_429, %parallel_loop3A_430], %parallel_loop3A_428 {strides = array<i32>} : memref<128x64xf32, #tpu.memory_space<vmem>>, vector<16xf32>,
        %parallel_loop3A_432 = arith.index_cast %parallel_loop3A_405 : i32 to index
        %parallel_loop3A_433 = arith.constant 48 : index
        %parallel_loop3A_434 = tpu.vector_load %arg17[%parallel_loop3A_432, %parallel_loop3A_433] {strides = array<i32>} : memref<128x64xf32, #tpu.memory_space<vmem>>, vector<16xf32>,
        %parallel_loop3A_435 = arith.mulf %parallel_loop3A_434, %parallel_loop3A_410 : vector<16xf32>
        %parallel_loop3A_436 = arith.index_cast %parallel_loop3A_405 : i32 to index
        %parallel_loop3A_437 = arith.constant 48 : index
        %parallel_loop3A_438 = tpu.vector_load %arg17[%parallel_loop3A_436, %parallel_loop3A_437] {strides = array<i32>} : memref<128x64xf32, #tpu.memory_space<vmem>>, vector<16xf32>,
        tpu.vector_store %arg17[%parallel_loop3A_436, %parallel_loop3A_437], %parallel_loop3A_435 {strides = array<i32>} : memref<128x64xf32, #tpu.memory_space<vmem>>, vector<16xf32>,
      } {sc.loop_unroll_factor = 4 : i64, sc.parallel_access}
      %get3A_271 = arith.constant 0 : index
      %get3A_272 = tpu.vector_load %arg13[%get3A_271] {strides = array<i32>} : memref<128xi32, #tpu.memory_space<vmem>>, vector<16xi32>,
      %sub3A_273 = arith.constant 1 : i32
      %sub3A_274 = vector.broadcast %sub3A_273 : i32 to vector<16xi32>
      %sub3A_275 = arith.subi %get3A_272, %sub3A_274 : vector<16xi32>
      %max3A = arith.constant 0 : i32
      %max3A_276 = vector.broadcast %max3A : i32 to vector<16xi32>
      %max3A_277 = arith.maxsi %sub3A_275, %max3A_276 : vector<16xi32>
      %gather3A = tpu.vector_load_idx %arg9[%max3A_277] : memref<16384xi32, #tpu.memory_space<vmem>>[vector<16xi32>], vector<16xi32>,
      %gt3A_278 = arith.constant 0 : i32
      %gt3A_279 = vector.broadcast %gt3A_278 : i32 to vector<16xi32>
      %gt3A_280 = arith.cmpi sgt, %get3A_272, %gt3A_279 : vector<16xi32>
      %jit3A_281 = arith.constant 0 : i32
      %broadcast_in_dim3A_282 = vector.broadcast %jit3A_281 : i32 to vector<16xi32>
      %select_n3A_283 = arith.select %gt3A_280, %gather3A, %broadcast_in_dim3A_282 : vector<16xi1>, vector<16xi32>
      %swap3A_284 = arith.constant 0 : index
      %swap3A_285 = tpu.vector_load %arg16[%swap3A_284] {strides = array<i32>} : memref<128xi32, #tpu.memory_space<vmem>>, vector<16xi32>,
      tpu.vector_store %arg16[%swap3A_284], %select_n3A_283 {strides = array<i32>} : memref<128xi32, #tpu.memory_space<vmem>>, vector<16xi32>,
      %get3A_286 = arith.constant 16 : index
      %get3A_287 = tpu.vector_load %arg13[%get3A_286] {strides = array<i32>} : memref<128xi32, #tpu.memory_space<vmem>>, vector<16xi32>,
      %sub3A_288 = arith.constant 1 : i32
      %sub3A_289 = vector.broadcast %sub3A_288 : i32 to vector<16xi32>
      %sub3A_290 = arith.subi %get3A_287, %sub3A_289 : vector<16xi32>
      %max3A_291 = arith.constant 0 : i32
      %max3A_292 = vector.broadcast %max3A_291 : i32 to vector<16xi32>
      %max3A_293 = arith.maxsi %sub3A_290, %max3A_292 : vector<16xi32>
      %gather3A_294 = tpu.vector_load_idx %arg9[%max3A_293] : memref<16384xi32, #tpu.memory_space<vmem>>[vector<16xi32>], vector<16xi32>,
      %gt3A_295 = arith.constant 0 : i32
      %gt3A_296 = vector.broadcast %gt3A_295 : i32 to vector<16xi32>
      %gt3A_297 = arith.cmpi sgt, %get3A_287, %gt3A_296 : vector<16xi32>
      %jit3A_298 = arith.constant 0 : i32
      %broadcast_in_dim3A_299 = vector.broadcast %jit3A_298 : i32 to vector<16xi32>
      %select_n3A_300 = arith.select %gt3A_297, %gather3A_294, %broadcast_in_dim3A_299 : vector<16xi1>, vector<16xi32>
      %swap3A_301 = arith.constant 16 : index
      %swap3A_302 = tpu.vector_load %arg16[%swap3A_301] {strides = array<i32>} : memref<128xi32, #tpu.memory_space<vmem>>, vector<16xi32>,
      tpu.vector_store %arg16[%swap3A_301], %select_n3A_300 {strides = array<i32>} : memref<128xi32, #tpu.memory_space<vmem>>, vector<16xi32>,
      %get3A_303 = arith.constant 32 : index
      %get3A_304 = tpu.vector_load %arg13[%get3A_303] {strides = array<i32>} : memref<128xi32, #tpu.memory_space<vmem>>, vector<16xi32>,
      %sub3A_305 = arith.constant 1 : i32
      %sub3A_306 = vector.broadcast %sub3A_305 : i32 to vector<16xi32>
      %sub3A_307 = arith.subi %get3A_304, %sub3A_306 : vector<16xi32>
      %max3A_308 = arith.constant 0 : i32
      %max3A_309 = vector.broadcast %max3A_308 : i32 to vector<16xi32>
      %max3A_310 = arith.maxsi %sub3A_307, %max3A_309 : vector<16xi32>
      %gather3A_311 = tpu.vector_load_idx %arg9[%max3A_310] : memref<16384xi32, #tpu.memory_space<vmem>>[vector<16xi32>], vector<16xi32>,
      %gt3A_312 = arith.constant 0 : i32
      %gt3A_313 = vector.broadcast %gt3A_312 : i32 to vector<16xi32>
      %gt3A_314 = arith.cmpi sgt, %get3A_304, %gt3A_313 : vector<16xi32>
      %jit3A_315 = arith.constant 0 : i32
      %broadcast_in_dim3A_316 = vector.broadcast %jit3A_315 : i32 to vector<16xi32>
      %select_n3A_317 = arith.select %gt3A_314, %gather3A_311, %broadcast_in_dim3A_316 : vector<16xi1>, vector<16xi32>
      %swap3A_318 = arith.constant 32 : index
      %swap3A_319 = tpu.vector_load %arg16[%swap3A_318] {strides = array<i32>} : memref<128xi32, #tpu.memory_space<vmem>>, vector<16xi32>,
      tpu.vector_store %arg16[%swap3A_318], %select_n3A_317 {strides = array<i32>} : memref<128xi32, #tpu.memory_space<vmem>>, vector<16xi32>,
      %get3A_320 = arith.constant 48 : index
      %get3A_321 = tpu.vector_load %arg13[%get3A_320] {strides = array<i32>} : memref<128xi32, #tpu.memory_space<vmem>>, vector<16xi32>,
      %sub3A_322 = arith.constant 1 : i32
      %sub3A_323 = vector.broadcast %sub3A_322 : i32 to vector<16xi32>
      %sub3A_324 = arith.subi %get3A_321, %sub3A_323 : vector<16xi32>
      %max3A_325 = arith.constant 0 : i32
      %max3A_326 = vector.broadcast %max3A_325 : i32 to vector<16xi32>
      %max3A_327 = arith.maxsi %sub3A_324, %max3A_326 : vector<16xi32>
      %gather3A_328 = tpu.vector_load_idx %arg9[%max3A_327] : memref<16384xi32, #tpu.memory_space<vmem>>[vector<16xi32>], vector<16xi32>,
      %gt3A_329 = arith.constant 0 : i32
      %gt3A_330 = vector.broadcast %gt3A_329 : i32 to vector<16xi32>
      %gt3A_331 = arith.cmpi sgt, %get3A_321, %gt3A_330 : vector<16xi32>
      %jit3A_332 = arith.constant 0 : i32
      %broadcast_in_dim3A_333 = vector.broadcast %jit3A_332 : i32 to vector<16xi32>
      %select_n3A_334 = arith.select %gt3A_331, %gather3A_328, %broadcast_in_dim3A_333 : vector<16xi1>, vector<16xi32>
      %swap3A_335 = arith.constant 48 : index
      %swap3A_336 = tpu.vector_load %arg16[%swap3A_335] {strides = array<i32>} : memref<128xi32, #tpu.memory_space<vmem>>, vector<16xi32>,
      tpu.vector_store %arg16[%swap3A_335], %select_n3A_334 {strides = array<i32>} : memref<128xi32, #tpu.memory_space<vmem>>, vector<16xi32>,
      %get3A_337 = arith.constant 64 : index
      %get3A_338 = tpu.vector_load %arg13[%get3A_337] {strides = array<i32>} : memref<128xi32, #tpu.memory_space<vmem>>, vector<16xi32>,
      %sub3A_339 = arith.constant 1 : i32
      %sub3A_340 = vector.broadcast %sub3A_339 : i32 to vector<16xi32>
      %sub3A_341 = arith.subi %get3A_338, %sub3A_340 : vector<16xi32>
      %max3A_342 = arith.constant 0 : i32
      %max3A_343 = vector.broadcast %max3A_342 : i32 to vector<16xi32>
      %max3A_344 = arith.maxsi %sub3A_341, %max3A_343 : vector<16xi32>
      %gather3A_345 = tpu.vector_load_idx %arg9[%max3A_344] : memref<16384xi32, #tpu.memory_space<vmem>>[vector<16xi32>], vector<16xi32>,
      %gt3A_346 = arith.constant 0 : i32
      %gt3A_347 = vector.broadcast %gt3A_346 : i32 to vector<16xi32>
      %gt3A_348 = arith.cmpi sgt, %get3A_338, %gt3A_347 : vector<16xi32>
      %jit3A_349 = arith.constant 0 : i32
      %broadcast_in_dim3A_350 = vector.broadcast %jit3A_349 : i32 to vector<16xi32>
      %select_n3A_351 = arith.select %gt3A_348, %gather3A_345, %broadcast_in_dim3A_350 : vector<16xi1>, vector<16xi32>
      %swap3A_352 = arith.constant 64 : index
      %swap3A_353 = tpu.vector_load %arg16[%swap3A_352] {strides = array<i32>} : memref<128xi32, #tpu.memory_space<vmem>>, vector<16xi32>,
      tpu.vector_store %arg16[%swap3A_352], %select_n3A_351 {strides = array<i32>} : memref<128xi32, #tpu.memory_space<vmem>>, vector<16xi32>,
      %get3A_354 = arith.constant 80 : index
      %get3A_355 = tpu.vector_load %arg13[%get3A_354] {strides = array<i32>} : memref<128xi32, #tpu.memory_space<vmem>>, vector<16xi32>,
      %sub3A_356 = arith.constant 1 : i32
      %sub3A_357 = vector.broadcast %sub3A_356 : i32 to vector<16xi32>
      %sub3A_358 = arith.subi %get3A_355, %sub3A_357 : vector<16xi32>
      %max3A_359 = arith.constant 0 : i32
      %max3A_360 = vector.broadcast %max3A_359 : i32 to vector<16xi32>
      %max3A_361 = arith.maxsi %sub3A_358, %max3A_360 : vector<16xi32>
      %gather3A_362 = tpu.vector_load_idx %arg9[%max3A_361] : memref<16384xi32, #tpu.memory_space<vmem>>[vector<16xi32>], vector<16xi32>,
      %gt3A_363 = arith.constant 0 : i32
      %gt3A_364 = vector.broadcast %gt3A_363 : i32 to vector<16xi32>
      %gt3A_365 = arith.cmpi sgt, %get3A_355, %gt3A_364 : vector<16xi32>
      %jit3A_366 = arith.constant 0 : i32
      %broadcast_in_dim3A_367 = vector.broadcast %jit3A_366 : i32 to vector<16xi32>
      %select_n3A_368 = arith.select %gt3A_365, %gather3A_362, %broadcast_in_dim3A_367 : vector<16xi1>, vector<16xi32>
      %swap3A_369 = arith.constant 80 : index
      %swap3A_370 = tpu.vector_load %arg16[%swap3A_369] {strides = array<i32>} : memref<128xi32, #tpu.memory_space<vmem>>, vector<16xi32>,
      tpu.vector_store %arg16[%swap3A_369], %select_n3A_368 {strides = array<i32>} : memref<128xi32, #tpu.memory_space<vmem>>, vector<16xi32>,
      %get3A_371 = arith.constant 96 : index
      %get3A_372 = tpu.vector_load %arg13[%get3A_371] {strides = array<i32>} : memref<128xi32, #tpu.memory_space<vmem>>, vector<16xi32>,
      %sub3A_373 = arith.constant 1 : i32
      %sub3A_374 = vector.broadcast %sub3A_373 : i32 to vector<16xi32>
      %sub3A_375 = arith.subi %get3A_372, %sub3A_374 : vector<16xi32>
      %max3A_376 = arith.constant 0 : i32
      %max3A_377 = vector.broadcast %max3A_376 : i32 to vector<16xi32>
      %max3A_378 = arith.maxsi %sub3A_375, %max3A_377 : vector<16xi32>
      %gather3A_379 = tpu.vector_load_idx %arg9[%max3A_378] : memref<16384xi32, #tpu.memory_space<vmem>>[vector<16xi32>], vector<16xi32>,
      %gt3A_380 = arith.constant 0 : i32
      %gt3A_381 = vector.broadcast %gt3A_380 : i32 to vector<16xi32>
      %gt3A_382 = arith.cmpi sgt, %get3A_372, %gt3A_381 : vector<16xi32>
      %jit3A_383 = arith.constant 0 : i32
      %broadcast_in_dim3A_384 = vector.broadcast %jit3A_383 : i32 to vector<16xi32>
      %select_n3A_385 = arith.select %gt3A_382, %gather3A_379, %broadcast_in_dim3A_384 : vector<16xi1>, vector<16xi32>
      %swap3A_386 = arith.constant 96 : index
      %swap3A_387 = tpu.vector_load %arg16[%swap3A_386] {strides = array<i32>} : memref<128xi32, #tpu.memory_space<vmem>>, vector<16xi32>,
      tpu.vector_store %arg16[%swap3A_386], %select_n3A_385 {strides = array<i32>} : memref<128xi32, #tpu.memory_space<vmem>>, vector<16xi32>,
      %get3A_388 = arith.constant 112 : index
      %get3A_389 = tpu.vector_load %arg13[%get3A_388] {strides = array<i32>} : memref<128xi32, #tpu.memory_space<vmem>>, vector<16xi32>,
      %sub3A_390 = arith.constant 1 : i32
      %sub3A_391 = vector.broadcast %sub3A_390 : i32 to vector<16xi32>
      %sub3A_392 = arith.subi %get3A_389, %sub3A_391 : vector<16xi32>
      %max3A_393 = arith.constant 0 : i32
      %max3A_394 = vector.broadcast %max3A_393 : i32 to vector<16xi32>
      %max3A_395 = arith.maxsi %sub3A_392, %max3A_394 : vector<16xi32>
      %gather3A_396 = tpu.vector_load_idx %arg9[%max3A_395] : memref<16384xi32, #tpu.memory_space<vmem>>[vector<16xi32>], vector<16xi32>,
      %gt3A_397 = arith.constant 0 : i32
      %gt3A_398 = vector.broadcast %gt3A_397 : i32 to vector<16xi32>
      %gt3A_399 = arith.cmpi sgt, %get3A_389, %gt3A_398 : vector<16xi32>
      %jit3A_400 = arith.constant 0 : i32
      %broadcast_in_dim3A_401 = vector.broadcast %jit3A_400 : i32 to vector<16xi32>
      %select_n3A_402 = arith.select %gt3A_399, %gather3A_396, %broadcast_in_dim3A_401 : vector<16xi1>, vector<16xi32>
      %swap3A_403 = arith.constant 112 : index
      %swap3A_404 = tpu.vector_load %arg16[%swap3A_403] {strides = array<i32>} : memref<128xi32, #tpu.memory_space<vmem>>, vector<16xi32>,
      tpu.vector_store %arg16[%swap3A_403], %select_n3A_402 {strides = array<i32>} : memref<128xi32, #tpu.memory_space<vmem>>, vector<16xi32>,
      "tpu.region"() ({
        %run_scoped3A = tpu.sem_alloc : memref<!tpu.dma_semaphore, #tpu.memory_space<semaphore_mem>>
        %dma_start3A_405 = arith.constant 0 : i32
        %dma_start3A_406 = tpu.memref_slice %arg6[%add3A_25, %dma_start3A_405] : memref<16384x64xf32, #tpu.memory_space<hbm>> -> memref<128x64xf32, #tpu.memory_space<hbm>>
        %dma_start3A_407 = arith.constant 0 : i32
        %dma_start3A_408 = tpu.memref_slice %arg6[%add3A_25, %dma_start3A_407] : memref<16384x64xf32, #tpu.memory_space<hbm>> -> memref<128x64xf32, #tpu.memory_space<hbm>>
        tpu.enqueue_dma source(%arg17 : memref<128x64xf32, #tpu.memory_space<vmem>>) target(%dma_start3A_408 : memref<128x64xf32, #tpu.memory_space<hbm>>) target_semaphore(%run_scoped3A : memref<!tpu.dma_semaphore, #tpu.memory_space<semaphore_mem>>)
        %dma_wait3A_409 = arith.constant 0 : i32
        %dma_wait3A_410 = tpu.memref_slice %arg6[%add3A_25, %dma_wait3A_409] : memref<16384x64xf32, #tpu.memory_space<hbm>> -> memref<128x64xf32, #tpu.memory_space<hbm>>
        %dma_wait3A_411 = arith.constant 0 : i32
        %dma_wait3A_412 = tpu.memref_slice %arg6[%add3A_25, %dma_wait3A_411] : memref<16384x64xf32, #tpu.memory_space<hbm>> -> memref<128x64xf32, #tpu.memory_space<hbm>>
        tpu.wait_dma2 semaphore(%run_scoped3A : memref<!tpu.dma_semaphore, #tpu.memory_space<semaphore_mem>>) src(%arg17 : memref<128x64xf32, #tpu.memory_space<vmem>>) dst(%dma_wait3A_412 : memref<128x64xf32, #tpu.memory_space<hbm>>)
        tpu.yield
      }) : () -> ()
      "tpu.region"() ({
        %run_scoped3A = tpu.sem_alloc : memref<!tpu.dma_semaphore, #tpu.memory_space<semaphore_mem>>
        %dma_start3A_405 = tpu.memref_slice %arg7[%add3A_25] : memref<16384xi32, #tpu.memory_space<hbm>> -> memref<128xi32, #tpu.memory_space<hbm>>
        %dma_start3A_406 = tpu.memref_slice %arg7[%add3A_25] : memref<16384xi32, #tpu.memory_space<hbm>> -> memref<128xi32, #tpu.memory_space<hbm>>
        tpu.enqueue_dma source(%arg16 : memref<128xi32, #tpu.memory_space<vmem>>) target(%dma_start3A_406 : memref<128xi32, #tpu.memory_space<hbm>>) target_semaphore(%run_scoped3A : memref<!tpu.dma_semaphore, #tpu.memory_space<semaphore_mem>>)
        %dma_wait3A_407 = tpu.memref_slice %arg7[%add3A_25] : memref<16384xi32, #tpu.memory_space<hbm>> -> memref<128xi32, #tpu.memory_space<hbm>>
        %dma_wait3A_408 = tpu.memref_slice %arg7[%add3A_25] : memref<16384xi32, #tpu.memory_space<hbm>> -> memref<128xi32, #tpu.memory_space<hbm>>
        tpu.wait_dma2 semaphore(%run_scoped3A : memref<!tpu.dma_semaphore, #tpu.memory_space<semaphore_mem>>) src(%arg16 : memref<128xi32, #tpu.memory_space<vmem>>) dst(%dma_wait3A_408 : memref<128xi32, #tpu.memory_space<hbm>>)
        tpu.yield
      }) : () -> ()
    }
    %scan3A_19 = arith.constant 8 : i32
    return
  }
}

</mosaic_0001>

<sc_bundles>
// kernel: kernel.3.cloned.1.call-start
scs
__scs_entry_jumppad:
0x0: {  	(pc) =	sbr.rel $0x88, $3  }
0x1: {  	(tag) =	ssettag $0x0;
	lr =	simm.s32 $0x1  }
0x2: {  	[smem:$0x3F9D] =	sst lr;
	_ =	strace $0xD0000000  }
0x3: {  	_ = 	snop  }
0x4: {  	_ = 	snop  }
0x5: {  	_ = 	snop  }
0x6: {  	_ = 	snop  }
0x7: {  	_ = 	snop  }
__scs_overlays_trampoline_lowered:
0x8: {  	[smem:$0x3FAC] =	sst s0  }
0x9: {  	[smem:$0x3FAD] =	sst s1  }
0xa: {  	[smem:$0x3FAE] =	sst s2  }
0xb: {  	[smem:$0x3FAF] =	sst s3  }
0xc: {  	[smem:$0x3FB0] =	sst s4  }
0xd: {  	[smem:$0x3FB1] =	sst s5  }
0xe: {  	[smem:$0x3FB2] =	sst s6  }
0xf: {  	[smem:$0x3FB3] =	sst s7  }
0x10: {  	[smem:$0x3FB4] =	sst s8  }
0x11: {  	[smem:$0x3FB5] =	sst s9;
	s0 =	simm.s32 @!p0 $0x0  }
0x12: {  	s1 =	sld [smem:$0x3F9B];
	s0 =	simm.s32 @p0 $0x1  }
0x13: {  	[smem:$0x3FB6] =	sst s0;
	s0 =	simm.s32 @!p1 $0x0  }
0x14: {  	s2 =	sld [smem:$0x3F9A];
	s0 =	simm.s32 @p1 $0x1  }
0x15: {  	[smem:$0x3FB7] =	sst s0;
	s0 =	simm.s32 @!p2 $0x0  }
0x16: {  	s3 =	sld [smem:$0x3FDB];
	s0 =	simm.s32 @p2 $0x1  }
0x17: {  	s4 =	simm.s32 $0x1BF5;
	[smem:$0x3FB9] =	sst s0  }
0x18: {  	s0 =	sld [smem:$0x3F9C];
	_ =	swait.ge [sflag:s4], $0x0  }
0x19: {  	s7 =	sld [smem:$0x3F9D]  }
0x1a: {  	s8 =	sadd.s32 $0xFFFFE003, lr  }
0x1b: {  	s9 =	sadd.s32 $0xFFFFFEF7, lr;
	s5 =	simm.s32 $0xFFFFFFFF;
	p2 =	slt.u32 s8, $0xFFFFF086  }
0x1c: {  	p1 =	slt.u32 s9, $0xF7A;
	s5 =	simm.s32 @!p2 $0x0  }
0x1d: {  	s5 =	simm.s32 @p1 $0x1;
	p0 =	seq.s32 s7, s2  }
0x1e: {  	s7 =	smul.u32 @!p0 $0xF7A, s2;
	p2 =	seq.s32 @!p0 s5, $0x0  }
0x1f: {  	s9 =	smul.u32 $0xF7A, s1;
	s8 =	simm.s32 @!p0 $0x1BF5;
	p2 =	por !p2, p0  }
0x20: {  	[sflag:s8] =	ssyncset.s32 @!p0 $0xFFFFF086;
	s6 =	sadd.s32 @!p0 s3, s7;
	s7 =	simm.s32 @!p0 $0x108  }
0x21: {  	s3 =	sadd.s32 s3, s9;
	s6 =	sadd.s32 @!p0 $0x88, s6;
	s7 =	simm.s32 @p2 $0x1082  }
0x22: {  	[simem:s7], [sflag:s8] =	dma.local @!p0 [hbm:s6], $0xF7A  }
0x23: {  	s9 =	sor.u32 $0xD0000000, s2;
	s6 =	simm.s32 $0x108;
	_ =	swait.ge @!p0 [sflag:s8], $0x0  }
0x24: {  	s3 =	sadd.s32 $0x88, s3;
	s6 =	simm.s32 @!p1 $0x1082;
	[sflag:s4] =	ssyncset.s32 $0xFFFFF086  }
0x25: {  	[simem:s6], [sflag:s4] =	dma.local [hbm:s3], $0xF7A  }
0x26: {  	[smem:$0x3F9D] =	sst s1;
	(tag) =	ssettag s2;
	_ =	strace s9  }
0x27: {  	s1 =	sld [smem:$0x3FAD]  }
0x28: {  	s2 =	sld [smem:$0x3FAE]  }
0x29: {  	s4 =	sld [smem:$0x3FB0]  }
0x2a: {  	p0 =	seq.s32 s5, $0x0;
	s5 =	sld [smem:$0x3FB1]  }
0x2b: {  	s6 =	sld [smem:$0x3FB2]  }
0x2c: {  	s7 =	sld [smem:$0x3FB3]  }
0x2d: {  	s3 =	simm.s32 $0x108;
	s8 =	sld [smem:$0x3FB4]  }
0x2e: {  	s3 =	simm.s32 @!p0 $0x1082;
	s9 =	sld [smem:$0x3FB5]  }
0x2f: {  	lr =	sadd.s32 s0, s3;
	s0 =	sld [smem:$0x3FAC]  }
0x30: {  	s3 =	sld [smem:$0x3FAF]  }
0x31: {  	[smem:$0x3FB8] =	sst s10  }
0x32: {  	s10 =	sld [smem:$0x3FB6];
	_ =	sdelay $0x3  }
0x33: {  	p0 =	seq.s32 s10, $0x1;
	s10 =	sld [smem:$0x3FB8];
	_ =	sdelay $0x3  }
0x34: {  	[smem:$0x3FB8] =	sst s10  }
0x35: {  	s10 =	sld [smem:$0x3FB7];
	_ =	sdelay $0x3  }
0x36: {  	p1 =	seq.s32 s10, $0x1;
	s10 =	sld [smem:$0x3FB8];
	_ =	sdelay $0x3  }
0x37: {  	[smem:$0x3FB8] =	sst s10  }
0x38: {  	s10 =	sld [smem:$0x3FB9]  }
0x39: {  	_ = 	snop;
	(pc) =	sbr.ind lr, $3  }
0x3a: {  	_ = 	snop  }
0x3b: {  	_ = 	snop  }
0x3c: {  	p2 =	seq.s32 s10, $0x1;
	s10 =	sld [smem:$0x3FB8]  }
0x3d: {  	_ =	shalt  }
0x3e: {  	_ =	shalt  }
0x3f: {  	_ =	shalt  }
0x40: {  	_ =	shalt  }
0x41: {  	_ =	shalt  }
0x42: {  	_ =	shalt  }
0x43: {  	_ =	shalt  }
0x44: {  	_ =	shalt  }
0x45: {  	_ =	shalt  }
0x46: {  	_ =	shalt  }
0x47: {  	_ =	shalt  }
0x48: {  	_ =	shalt  }
0x49: {  	_ =	shalt  }
0x4a: {  	_ =	shalt  }
0x4b: {  	_ =	shalt  }
0x4c: {  	_ =	shalt  }
0x4d: {  	_ =	shalt  }
0x4e: {  	_ =	shalt  }
0x4f: {  	_ =	shalt  }
0x50: {  	_ =	shalt  }
0x51: {  	_ =	shalt  }
0x52: {  	_ =	shalt  }
0x53: {  	_ =	shalt  }
0x54: {  	_ =	shalt  }
0x55: {  	_ =	shalt  }
0x56: {  	_ =	shalt  }
0x57: {  	_ =	shalt  }
0x58: {  	_ =	shalt  }
0x59: {  	_ =	shalt  }
0x5a: {  	_ =	shalt  }
0x5b: {  	_ =	shalt  }
0x5c: {  	_ =	shalt  }
0x5d: {  	_ =	shalt  }
0x5e: {  	_ =	shalt  }
0x5f: {  	_ =	shalt  }
0x60: {  	_ =	shalt  }
0x61: {  	_ =	shalt  }
0x62: {  	_ =	shalt  }
0x63: {  	_ =	shalt  }
0x64: {  	_ =	shalt  }
0x65: {  	_ =	shalt  }
0x66: {  	_ =	shalt  }
0x67: {  	_ =	shalt  }
0x68: {  	_ =	shalt  }
0x69: {  	_ =	shalt  }
0x6a: {  	_ =	shalt  }
0x6b: {  	_ =	shalt  }
0x6c: {  	_ =	shalt  }
0x6d: {  	_ =	shalt  }
0x6e: {  	_ =	shalt  }
0x6f: {  	_ =	shalt  }
0x70: {  	_ =	shalt  }
0x71: {  	_ =	shalt  }
0x72: {  	_ =	shalt  }
0x73: {  	_ =	shalt  }
0x74: {  	_ =	shalt  }
0x75: {  	_ =	shalt  }
0x76: {  	_ =	shalt  }
0x77: {  	_ =	shalt  }
0x78: {  	_ =	shalt  }
0x79: {  	_ =	shalt  }
0x7a: {  	_ =	shalt  }
0x7b: {  	_ =	shalt  }
0x7c: {  	_ =	shalt  }
0x7d: {  	_ =	shalt  }
0x7e: {  	_ =	shalt  }
0x7f: {  	_ =	shalt  }
0x80: {  	_ =	shalt  }
0x81: {  	_ =	shalt  }
0x82: {  	_ =	shalt  }
0x83: {  	_ =	shalt  }
0x84: {  	_ =	shalt  }
0x85: {  	_ =	shalt  }
0x86: {  	_ =	shalt  }
0x87: {  	_ =	shalt  }
.Lfunc_end0:
.L_simem_size_0:
called_computation_lowered:
.L_overlay_start_0:
0x88: {  	s0 =	sld [smem:$0x3FD9]  }
0x89: {  	s1 =	sld [smem:$0x3FFE];
	_ =	sdelay $0x3  }
0x8a: {  	s0 =	sadd.s32 s1, s0  }
0x8b: {  	[smem:$0x3FC4] =	sst s0  }
0x8c: {  	_ = 	snop  }
0x8d: {  	s13 =	sld [smem:$0x3FD0]  }
0x8e: {  	s2 =	sld [smem:$0x3FC9]  }
0x8f: {  	s3 =	sld [smem:$0x3FC7]  }
0x90: {  	s5 =	simm.s32 $0xA;
	s6 =	simm.s32 $0x10;
	s4 =	sld [smem:$0x3FC6]  }
0x91: {  	[smem:s6], [sflag:s5] =	dma.local [hbm:s13], $0x1  }
0x92: {  	_ =	swait.eq [sflag:s5], $0x1  }
0x93: {  	[sflag:s5] =	ssyncset.done $0x0  }
0x94: {  	s14 =	sld [smem:$0x10];
	[sflag:s5] =	ssyncadd.s32 $0xFFFFFFFF  }
0x95: {  	s15 =	sld [smem:$0x11];
	(tm) =	ssettm $0x1  }
0x96: {  	s16 =	sld [smem:$0x3FFB];
	_ =	sdelay $0x3  }
0x97: {  	_ =	strace s16  }
0x98: {  	s6 =	sld [smem:$0x3FFC];
	_ =	sdelay $0x3  }
0x99: {  	_ =	strace s6  }
0x9a: {  	s6 =	sld [smem:$0x3FFD];
	_ =	sdelay $0x3  }
0x9b: {  	_ =	strace s6  }
0x9c: {  	_ =	strace $0x8FFFFFFF  }
0x9d: {  	s17 =	sld [smem:$0x3FDB];
	_ =	sdelay $0x1  }
0x9e: {  	s7 =	simm.s32 $_scs_section_size  }
0x9f: {  	s8 =	simm.s32 $_size__tile_overlayer_lowered;
	s9 =	simm.s32 $_tile_overlayer_lowered  }
0xa0: {  	s20 =	simm.s32 $0x1BFF;
	s19 =	sshll.u32 s9, $0x1;
	s6 =	sadd.s32 s7, s17  }
0xa1: {  	s10 =	simm.s32 $0x0;
	s18 =	sshll.u32 s8, $0x1;
	s8 =	sadd.s32 s19, s6  }
0xa2: {  	[timem:s10], [sflag:s20] =	dma.local [hbm:s8], s18  }
0xa3: {  	_ =	swait.ge [sflag:s20], s18  }
0xa4: {  	s7 =	ssub.s32 $0x0, s18;
	[sflag:s20] =	ssyncset.done $0x0  }
0xa5: {  	[sflag:s20] =	ssyncadd.s32 s7;
	_ =	sdelay $0x1  }
0xa6: {  	s21 =	simm.s32 $0x1B8B  }
0xa7: {  	_ =	swait.ge [sflag:s21], $0x1  }
0xa8: {  	[sflag:s21] =	ssyncset.done $0x0  }
0xa9: {  	s23 =	simm.s32 $0x1B8E;
	s22 =	sld [smem:$0x3FFE];
	[sflag:s21] =	ssyncadd.s32 $0xFFFFFFFF  }
0xaa: {  	s24 =	simm.s32 $execute0_lowered;
	[smem:$0x3FD2] =	sst s23  }
0xab: {  	s8 =	sshll.u32 s24, $0x1;
	_ =	strace $0x80000046;
	[dreg:$0x1] =	wrdreg $0xFFFFFFFF  }
0xac: {  	s25 =	simm.s32 $_size_execute0_lowered;
	s6 =	sadd.s32 s6, s8;
	[dreg:$0x0] =	wrdreg $0x0  }
0xad: {  	s8 =	sshll.u32 s25, $0x1;
	[dreg:$0x2] =	wrdreg s6  }
0xae: {  	[dreg:$0x3] =	wrdreg s8  }
0xaf: {  	[dreg:$0x4] =	wrdreg $0xC0  }
0xb0: {  	_ =	task [dreg:s10], $0x5FFFF  }
0xb1: {  	[dreg:$0x1] =	wrdreg $0xFFFFFFFF  }
0xb2: {  	[dreg:$0x0] =	wrdreg $0x60  }
0xb3: {  	[dreg:$0x2] =	wrdreg s2  }
0xb4: {  	[dreg:$0x3] =	wrdreg s14  }
0xb5: {  	[dreg:$0x4] =	wrdreg s3  }
0xb6: {  	[dreg:$0x5] =	wrdreg s4  }
0xb7: {  	[dreg:$0x6] =	wrdreg s22  }
0xb8: {  	s0 =	sadd.s32 $0x400, s0;
	[dreg:$0x7] =	wrdreg s15  }
0xb9: {  	[dreg:$0x8] =	wrdreg s0  }
0xba: {  	[dreg:$0x9] =	wrdreg $0x9  }
0xbb: {  	_ =	task.clear_ibuf [dreg:s10], $0xAFFFF;
	_ =	strace $0x90000046  }
0xbc: {  	s26 =	simm.s32 $0x9;
	_ =	strace $0x80000048  }
0xbd: {  	_ =	swait.ge [sflag:s26], $0x1  }
0xbe: {  	[sflag:s26] =	ssyncadd.s32 $0xFFFFFFFF  }
0xbf: {  	_ =	strace $0x90000048  }
0xc0: {  	_ =	sfence  }
0xc1: {  	s28 =	sld [smem:$0x0];
	_ =	sdelay $0x1  }
0xc2: {  	s29 =	srdreg.scid  }
0xc3: {  	s30 =	sshll.u32 s29, $0xD;
	s31 =	sshrl.u32 s29, $0x2  }
0xc4: {  	s1 =	sand.u32 $0x1, s29;
	s2 =	sand.u32 $0x4000, s30;
	s0 =	sadd.s32 s31, s28  }
0xc5: {  	s1 =	sor.u32 s2, s1;
	s0 =	sshll.u32 s0, $0x11  }
0xc6: {  	s0 =	sor.u32 s0, s1  }
0xc7: {  	s0 =	sadd.s32 $0x8F2B, s0  }
0xc8: {  	[sflag:s0] =	ssyncadd.remote.s32 $0x1  }
0xc9: {  	_ =	sfence.sel $0xFFFF  }
0xca: {  	[dreg:$0x0] =	wrdreg $0xFFFFFFFF;
	(pc) =	sbr.abs _section_cstart, $3  }
0xcb: {  	[dreg:$0x1] =	wrdreg $0xFFFFFFFF  }
0xcc: {  	_ =	task.clear_ibuf [dreg:s10], $0x2FFFF;
	_ =	strace $0x9FFFFFFF  }
0xcd: {  	(tm) =	ssettm $0x7FFFFFFF  }
tec
execute0_lowered:
.L_overlay_start_1:
0x0: {  	(tag) =	ssettag $0x1  }
0x1: {  	s5 =	rddreg [dreg:$0x0]  }
0x2: {  	s1 =	rddreg [dreg:$0x1]  }
0x3: {  	s6 =	rddreg [dreg:$0x2]  }
0x4: {  	s2 =	rddreg [dreg:$0x3]  }
0x5: {  	s8 =	rddreg [dreg:$0x4]  }
0x6: {  	s3 =	rddreg [dreg:$0x5]  }
0x7: {  	s4 =	rddreg [dreg:$0x6];
	s7 =	simm.s32 $0x0  }
0x8: {  	[smem:$0x7FF] =	sst s7  }
0x9: {  	s0 =	rddreg [dreg:$0x7];
	_ =	strace $0x80000047  }
0xa: {  	[tilespmem:s7], [sflag:$0x2] =	stream.linear.gather [hbm4b:s5+s7], $0x4000, $0x38;
	[tilespmem:$0x1A280] =	vst v63  }
0xb: {  	s31 =	simm.s32 $0x4000  }
0xc: {  	[tilespmem:s31], [sflag:$0x3] =	stream.linear.gather [hbm4b:s6+s7], $0x4000, $0x38;
	[tilespmem:$0x1A280] =	vst v63  }
0xd: {  	v0 =	vimm.s32 $0x0;
	s7 =	simm.s32 $0x8040  }
0xe: {  	[tilespmem:s7+$0xFFFFFFC0] =	vst v0  }
0xf: {  	[tilespmem:s7+$0x30] =	vst v0  }
0x10: {  	[tilespmem:s7+$0x20] =	vst v0  }
0x11: {  	[tilespmem:s7+$0x10] =	vst v0  }
0x12: {  	[tilespmem:s7+$0x0] =	vst v0  }
0x13: {  	[tilespmem:s7+$0xFFFFFFF0] =	vst v0  }
0x14: {  	s5 =	stileid.u32;
	s6 =	sadd.s32 $0x800, s8;
	s8 =	simm.s32 $0x0;
	[tilespmem:s7+$0xFFFFFFE0] =	vst v0  }
.LBB2_1:
0x15: {  	s8 =	sadd.s32 $0x80, s8;
	[tilespmem:s7+$0xFFFFFFD0] =	vst v0;
	s7 =	sadd.s32 $0x80, s7  }
0x16: {  	[tilespmem:s7+$0xFFFFFFC0] =	vst v0;
	p0 =	slt.u32 s8, $0xFF80  }
0x17: {  	[tilespmem:s7+$0x30] =	vst v0  }
.Ltmp0:
0x18: {  	[tilespmem:s7+$0x20] =	vst v0;
	(pc) =	sbr.rel @p0 .LBB2_1-.Ltmp0, $4  }
0x19: {  	[tilespmem:s7+$0x10] =	vst v0  }
0x1a: {  	[tilespmem:s7+$0x0] =	vst v0  }
0x1b: {  	[tilespmem:s7+$0xFFFFFFF0] =	vst v0  }
0x1c: {  	[tilespmem:s7+$0xFFFFFFE0] =	vst v0  }
0x1d: {  	[tilespmem:s7+$0xFFFFFFD0] =	vst v0;
	s31 =	simm.s32 $0x2  }
0x1e: {  	_ =	swait.ge [sflag:s31], $0x4000  }
0x1f: {  	v1 =	vlaneseq.u32;
	s7 =	simm.s32 $0x0;
	[sflag:s31] =	ssyncset.done $0x0  }
0x20: {  	v0 =	vmov s5;
	s8 =	simm.s32 $0x20;
	s9 =	simm.s32 $0x8000;
	v1 =	vadd.s32 $0x1, v1;
	[sflag:s31] =	ssyncadd.s32 $0xFFFFC000  }
.LBB2_3:
0x21: {  	v2 =	vld [tilespmem:s8+$0xFFFFFFE0];
	_ =	sdelay $0x4  }
0x22: {  	v3 =	vshra.s32 v2, $0x10  }
0x23: {  	v2 =	vand.u32 $0xFFFF, v2;
	vm0 =	veq.s32 v3, v0  }
0x24: {  	(xrf1) =	vunique.msk.u32 vm0, v2;
	_ =	sdelay $0xd  }
0x25: {  	_, v3, vm1 =	vpop (xrf1)  }
0x26: {  	vm0 =	vmand vm0, vm1;
	_ =	sdelay $0x4  }
0x27: {  	v3 =	vor.u32 s7, v1  }
0x28: {  	[tilespmem:v2+s9+$0x0] =	vst.idx.msk vm0, v3  }
0x29: {  	v2 =	vld [tilespmem:s8+$0xFFFFFFF0];
	_ =	sdelay $0x4  }
0x2a: {  	v3 =	vshra.s32 v2, $0x10  }
0x2b: {  	v2 =	vand.u32 $0xFFFF, v2;
	vm10 =	veq.s32 v3, v0  }
0x2c: {  	(xrf1) =	vunique.msk.u32 vm10, v2;
	_ =	sdelay $0xd  }
0x2d: {  	_, v3, vm11 =	vpop (xrf1)  }
0x2e: {  	vm0 =	vmand vm10, vm11;
	_ =	sdelay $0x3  }
0x2f: {  	s10 =	sadd.s32 $0x10, s7  }
0x30: {  	v3 =	vadd.s32 s10, v1  }
0x31: {  	[tilespmem:v2+s9+$0x0] =	vst.idx.msk vm0, v3  }
0x32: {  	v2 =	vld [tilespmem:s8+$0x0];
	_ =	sdelay $0x4  }
0x33: {  	v3 =	vshra.s32 v2, $0x10  }
0x34: {  	v2 =	vand.u32 $0xFFFF, v2;
	vm12 =	veq.s32 v3, v0  }
0x35: {  	(xrf1) =	vunique.msk.u32 vm12, v2;
	_ =	sdelay $0xd  }
0x36: {  	_, v3, vm13 =	vpop (xrf1)  }
0x37: {  	vm0 =	vmand vm12, vm13;
	_ =	sdelay $0x3  }
0x38: {  	s30 =	sadd.s32 $0x20, s7  }
0x39: {  	v3 =	vor.u32 s30, v1  }
0x3a: {  	[tilespmem:v2+s9+$0x0] =	vst.idx.msk vm0, v3  }
0x3b: {  	v2 =	vld [tilespmem:s8+$0x10];
	_ =	sdelay $0x4  }
0x3c: {  	v3 =	vshra.s32 v2, $0x10  }
0x3d: {  	v2 =	vand.u32 $0xFFFF, v2;
	vm14 =	veq.s32 v3, v0  }
0x3e: {  	(xrf1) =	vunique.msk.u32 vm14, v2;
	_ =	sdelay $0xd  }
0x3f: {  	_, v3, vm15 =	vpop (xrf1)  }
0x40: {  	vm0 =	vmand vm14, vm15  }
0x41: {  	p0 =	sne.s32 s7, $0x3FC0  }
.Ltmp1:
0x42: {  	_ = 	snop;
	(pc) =	sbr.rel @p0 .LBB2_3-.Ltmp1, $4  }
0x43: {  	_ = 	snop  }
0x44: {  	s31 =	sadd.s32 $0x30, s7  }
0x45: {  	v3 =	vadd.s32 s31, v1  }
0x46: {  	s7 =	sadd.s32 $0x40, s7;
	s8 =	sadd.s32 $0x40, s8;
	[tilespmem:v2+s9+$0x0] =	vst.idx.msk vm0, v3  }
0x47: {  	s7 =	sshll.u32 s5, $0xD  }
0x48: {  	s9 =	simm.s32 $0x8000;
	s8 =	sadd.s32 s7, s4;
	s7 =	simm.s32 $0x0  }
0x49: {  	[hbm4b:s8+s7] =	stream.linear.scatter [tilespmem:s9], [sflag:$0x4], $0x10000, $0x38;
	[tilespmem:$0x1A280] =	vst v63  }
0x4a: {  	s8 =	simm.s32 $0x4  }
0x4b: {  	_ =	swait.ge [sflag:s8], $0x10000  }
0x4c: {  	s10 =	simm.s32 $0x3;
	s11 =	simm.s32 $0x80;
	[sflag:s8] =	ssyncset.done $0x0  }
0x4d: {  	s12 =	simm.s32 $0x18100;
	s13 =	simm.s32 $0x18080;
	[sflag:s8] =	ssyncadd.s32 $0xFFFF0000  }
0x4e: {  	s14 =	simm.s32 $0x1;
	s15 =	simm.s32 $0x18280;
	[bflag:$0x0] =	sbarrier.arrive $0xFFFF  }
0x4f: {  	s16 =	simm.s32 $0x18180;
	s17 =	simm.s32 $0x4000;
	_ =	swait.ge [sflag:s10], $0x4000  }
0x50: {  	s18 =	simm.s32 $0x18200;
	s19 =	simm.s32 $0x0;
	[sflag:s10] =	ssyncset.done $0x0  }
0x51: {  	v0 =	vlaneseq.u32;
	v1 =	vimm.f32 $0.0e+00;
	s9 =	sshll.u32 s5, $0xA;
	[sflag:s10] =	ssyncadd.s32 $0xFFFFC000;
	s10 =	simm.s32 $0x18000  }
.LBB2_5:
0x52: {  	s20 =	sshll.u32 s19, $0x7  }
0x53: {  	s21 =	sadd.s32 s9, s20  }
0x54: {  	s20 =	sshrl.u32 s21, $0x3  }
0x55: {  	s22 =	sadd.s32 s2, s20  }
0x56: {  	[tilespmem:s10], [sflag:$0x4] =	stream.linear.gather [hbm4b:s22+s7], $0x80, $0x38;
	[tilespmem:$0x1A280] =	vst v63  }
0x57: {  	_ =	swait.ge [sflag:s8], $0x80  }
0x58: {  	[sflag:s8] =	ssyncset.done $0x0  }
0x59: {  	[sflag:s8] =	ssyncadd.s32 $0xFFFFFF80  }
0x5a: {  	v2 =	vld [tilespmem:$0x18000]  }
0x5b: {  	v3 =	vld [tilespmem:$0x18010]  }
0x5c: {  	v4 =	vld [tilespmem:$0x18020]  }
0x5d: {  	v5 =	vld [tilespmem:$0x18030]  }
0x5e: {  	v6 =	vld [tilespmem:$0x18040]  }
0x5f: {  	[tilespmem:$0x18100] =	vst v2;
	v2 =	vld [tilespmem:$0x18050]  }
0x60: {  	[tilespmem:$0x18110] =	vst v3;
	v3 =	vld [tilespmem:$0x18060]  }
0x61: {  	[tilespmem:$0x18120] =	vst v4;
	v4 =	vld [tilespmem:$0x18070]  }
0x62: {  	[tilespmem:$0x18130] =	vst v5  }
0x63: {  	[tilespmem:$0x18140] =	vst v6  }
0x64: {  	[tilespmem:$0x18150] =	vst v2  }
0x65: {  	[tilespmem:$0x18160] =	vst v3  }
0x66: {  	[tilespmem:$0x18170] =	vst v4  }
0x67: {  	[tilespmem:s13], [sflag:$0x1] =	stream.indirect.gather [hbm4b:s4+s11], $0x1, s12, s11, $0xb8;
	[tilespmem:$0x1A280] =	vst v63  }
0x68: {  	_ =	swait.ge [sflag:s14], $0x80  }
0x69: {  	[sflag:s14] =	ssyncset.done $0x0  }
0x6a: {  	[sflag:s14] =	ssyncadd.s32 $0xFFFFFF80  }
0x6b: {  	v2 =	vld [tilespmem:$0x18080]  }
0x6c: {  	v3 =	vld [tilespmem:$0x18090];
	_ =	sdelay $0x1  }
0x6d: {  	v4 =	vld [tilespmem:$0x180A0];
	_ =	sdelay $0x1  }
0x6e: {  	v5 =	vor.u32 s21, v0;
	v6 =	vld [tilespmem:$0x180B0];
	vm0 =	vgt.s32 v2, $0x0;
	v2 =	vadd.s32 $0xFFFFFFFF, v2  }
0x6f: {  	s29 =	sor.u32 $0x10, s21;
	vm9 =	vgt.s32 v3, $0x0;
	v2 =	vsel vm0, v2, v5  }
0x70: {  	v5 =	vsel vm0, $0x3F800000, v1;
	[tilespmem:$0x18100] =	vst v2;
	v2 =	vadd.s32 $0xFFFFFFFF, v3;
	v3 =	vor.u32 s29, v0  }
0x71: {  	s30 =	sor.u32 $0x20, s21;
	vm10 =	vgt.s32 v4, $0x0;
	[tilespmem:$0x18180] =	vst v5;
	v5 =	vld [tilespmem:$0x180C0];
	v2 =	vsel vm9, v2, v3  }
0x72: {  	v3 =	vsel vm9, $0x3F800000, v1;
	[tilespmem:$0x18110] =	vst v2;
	v2 =	vadd.s32 $0xFFFFFFFF, v4;
	v4 =	vor.u32 s30, v0  }
0x73: {  	s31 =	sor.u32 $0x30, s21;
	vm11 =	vgt.s32 v6, $0x0;
	[tilespmem:$0x18190] =	vst v3;
	v2 =	vsel vm10, v2, v4;
	v4 =	vld [tilespmem:$0x180D0]  }
0x74: {  	v3 =	vsel vm10, $0x3F800000, v1;
	[tilespmem:$0x18120] =	vst v2;
	v2 =	vadd.s32 $0xFFFFFFFF, v6;
	v6 =	vor.u32 s31, v0  }
0x75: {  	s23 =	sor.u32 $0x40, s21;
	[tilespmem:$0x181A0] =	vst v3;
	v3 =	vsel vm11, $0x3F800000, v1;
	v2 =	vsel vm11, v2, v6;
	v6 =	vld [tilespmem:$0x180E0]  }
0x76: {  	vm12 =	vgt.s32 v5, $0x0;
	[tilespmem:$0x18130] =	vst v2;
	v2 =	vadd.s32 $0xFFFFFFFF, v5;
	v5 =	vor.u32 s23, v0  }
0x77: {  	s24 =	sor.u32 $0x50, s21;
	[tilespmem:$0x181B0] =	vst v3;
	v3 =	vsel vm12, $0x3F800000, v1;
	v2 =	vsel vm12, v2, v5;
	v5 =	vld [tilespmem:$0x180F0]  }
0x78: {  	[tilespmem:$0x18140] =	vst v2;
	vm13 =	vgt.s32 v4, $0x0;
	v2 =	vadd.s32 $0xFFFFFFFF, v4;
	v4 =	vor.u32 s24, v0  }
0x79: {  	s25 =	sor.u32 $0x60, s21;
	[tilespmem:$0x181C0] =	vst v3;
	v2 =	vsel vm13, v2, v4;
	v3 =	vsel vm13, $0x3F800000, v1  }
0x7a: {  	v4 =	vor.u32 s25, v0;
	[tilespmem:$0x18150] =	vst v2;
	vm14 =	vgt.s32 v6, $0x0;
	v2 =	vadd.s32 $0xFFFFFFFF, v6  }
0x7b: {  	s26 =	sor.u32 $0x70, s21;
	[tilespmem:$0x181D0] =	vst v3;
	v2 =	vsel vm14, v2, v4;
	v3 =	vsel vm14, $0x3F800000, v1  }
0x7c: {  	v4 =	vor.u32 s26, v0;
	[tilespmem:$0x18160] =	vst v2;
	vm15 =	vgt.s32 v5, $0x0;
	v2 =	vadd.s32 $0xFFFFFFFF, v5  }
0x7d: {  	[tilespmem:$0x181E0] =	vst v3;
	v2 =	vsel vm15, v2, v4  }
0x7e: {  	s28 =	simm.s32 $0x3;
	s23 =	simm.s32 $0x1;
	v3 =	vsel vm15, $0x3F800000, v1;
	v4 =	vmov s7;
	[tilespmem:$0x18170] =	vst v2  }
0x7f: {  	s29 =	simm.s32 $0x2;
	v5 =	vmov s23;
	v2 =	vand.u32 $0xFFFFFFFC, v4;
	v4 =	vmov s28;
	[tilespmem:$0x181F0] =	vst v3  }
0x80: {  	v3 =	vbroadcast v2, $0x0;
	v2 =	vand.u32 $0xFFFFFFFD, v5;
	[tilespmem:s15], [sflag:$0x1] =	stream.indirect.gather [hbm4b:s1+s11], $0x40, s12, s11, $0xb8;
	[tilespmem:$0x1A280] =	vst v63  }
0x81: {  	v5 =	vmov s29;
	v6 =	vbroadcast v2, $0x0;
	_ =	swait.ge [sflag:s14], $0x2000  }
0x82: {  	v2 =	vand.u32 $0xFFFFFFFE, v5;
	[sflag:s14] =	ssyncset.done $0x0  }
0x83: {  	v5 =	vbroadcast v2, $0x0;
	[sflag:s14] =	ssyncadd.s32 $0xFFFFE000  }
0x84: {  	s22 =	simm.s32 $0x18300;
	v2 =	vld.idx.msk [tilespmem:v4+s16+$0x0], $0xffff  }
0x85: {  	v7 =	vld [tilespmem:s22+$0xFFFFFF90]  }
0x86: {  	v9 =	vld.idx.msk [tilespmem:v3+s16+$0x0], $0xffff  }
0x87: {  	v4 =	vld.idx.msk [tilespmem:v6+s16+$0x0], $0xffff  }
0x88: {  	v6 =	vld [tilespmem:s22+$0xFFFFFF80]  }
0x89: {  	v3 =	vld.idx.msk [tilespmem:v5+s16+$0x0], $0xffff  }
0x8a: {  	v5 =	vld [tilespmem:s22+$0x30]  }
0x8b: {  	v8 =	vld [tilespmem:s22+$0xFFFFFFA0]  }
0x8c: {  	v10 =	vld [tilespmem:s22+$0xFFFFFFB0]  }
0x8d: {  	v11 =	vld [tilespmem:s22+$0xFFFFFFC0];
	v14 =	vmul.f32 v7, v9  }
0x8e: {  	v13 =	vmul.f32 v6, v9;
	v6 =	vld [tilespmem:s22+$0xFFFFFFD0]  }
0x8f: {  	s30 =	simm.s32 $0x4;
	v12 =	vmul.f32 v5, v3;
	v5 =	vld [tilespmem:s22+$0xFFFFFFE0];
	[tilespmem:s22+$0xFFFFFF90] =	vst v14  }
0x90: {  	s31 =	simm.s32 $0x7;
	v7 =	vmov s30;
	[tilespmem:s22+$0xFFFFFF80] =	vst v13;
	v13 =	vmul.f32 v8, v9;
	v8 =	vld [tilespmem:s22+$0xFFFFFFF0]  }
0x91: {  	s24 =	simm.s32 $0x5;
	v15 =	vand.u32 $0xFFFFFFFC, v7;
	v7 =	vmov s31;
	[tilespmem:s22+$0x30] =	vst v12;
	v12 =	vmul.f32 v10, v9;
	v10 =	vld [tilespmem:s22+$0x0]  }
0x92: {  	s25 =	simm.s32 $0x6;
	s23 =	simm.s32 $0x18300;
	v14 =	vmov s24;
	s24 =	simm.s32 $0x8;
	v9 =	vbroadcast v15, $0x0;
	[tilespmem:s22+$0xFFFFFFA0] =	vst v13;
	v13 =	vmul.f32 v11, v4;
	v11 =	vld [tilespmem:s22+$0x10]  }
.LBB2_6:
0x93: {  	p0 =	slt.u32 s24, $0x7C;
	v14 =	vand.u32 $0xFFFFFFFD, v14;
	v15 =	vmov s25;
	[tilespmem:s22+$0xFFFFFFB0] =	vst v12;
	v6 =	vmul.f32 v6, v4;
	v12 =	vld [tilespmem:s22+$0x20]  }
0x94: {  	v14 =	vbroadcast v14, $0x0;
	v15 =	vand.u32 $0xFFFFFFFE, v15;
	[tilespmem:s22+$0xFFFFFFC0] =	vst v13;
	v5 =	vmul.f32 v5, v4;
	v13 =	vld [tilespmem:s22+$0x40]  }
0x95: {  	v15 =	vbroadcast v15, $0x0;
	[tilespmem:s22+$0xFFFFFFD0] =	vst v6;
	v4 =	vmul.f32 v8, v4;
	v6 =	vld [tilespmem:s22+$0x50]  }
0x96: {  	[tilespmem:s22+$0xFFFFFFE0] =	vst v5;
	v5 =	vmul.f32 v10, v3;
	v8 =	vld [tilespmem:s22+$0x60]  }
0x97: {  	[tilespmem:s22+$0xFFFFFFF0] =	vst v4;
	v4 =	vmul.f32 v11, v3;
	v10 =	vld [tilespmem:s22+$0x70]  }
0x98: {  	v7 =	vld.idx.msk [tilespmem:v7+s16+$0x0], $0xffff;
	[tilespmem:s22+$0x0] =	vst v5;
	v3 =	vmul.f32 v12, v3  }
0x99: {  	v9 =	vld.idx.msk [tilespmem:v9+s16+$0x0], $0xffff;
	[tilespmem:s22+$0x10] =	vst v4;
	v5 =	vmul.f32 v13, v2  }
0x9a: {  	v4 =	vld.idx.msk [tilespmem:v14+s16+$0x0], $0xffff;
	[tilespmem:s22+$0x20] =	vst v3;
	v6 =	vmul.f32 v6, v2  }
0x9b: {  	s22 =	sadd.s32 $0x100, s22;
	v3 =	vld.idx.msk [tilespmem:v15+s16+$0x0], $0xffff;
	[tilespmem:s23+$0x40] =	vst v5;
	v5 =	vmul.f32 v8, v2  }
0x9c: {  	v8 =	vld [tilespmem:s22+$0x30];
	[tilespmem:s23+$0x50] =	vst v6;
	v10 =	vmul.f32 v10, v2  }
0x9d: {  	v6 =	vld [tilespmem:s22+$0xFFFFFF80];
	[tilespmem:s23+$0x60] =	vst v5  }
0x9e: {  	v2 =	vmov v7;
	v5 =	vld [tilespmem:s22+$0xFFFFFF90];
	[tilespmem:s23+$0x70] =	vst v10;
	s23 =	smov.u32 s22  }
0x9f: {  	v7 =	vld [tilespmem:s22+$0xFFFFFFA0]  }
0xa0: {  	v10 =	vld [tilespmem:s22+$0xFFFFFFB0]  }
0xa1: {  	v11 =	vld [tilespmem:s22+$0xFFFFFFC0];
	v8 =	vmul.f32 v8, v3  }
.Ltmp2:
0xa2: {  	v12 =	vmul.f32 v6, v9;
	v6 =	vld [tilespmem:s22+$0xFFFFFFD0];
	(pc) =	sbr.rel @p0 .LBB2_6-.Ltmp2, $4  }
0xa3: {  	v13 =	vmul.f32 v5, v9;
	v5 =	vld [tilespmem:s22+$0xFFFFFFE0];
	[tilespmem:s22+$0x30] =	vst v8  }
0xa4: {  	s25 =	sadd.s32 $0x3, s24;
	v14 =	vmov s24;
	[tilespmem:s22+$0xFFFFFF80] =	vst v12;
	v15 =	vmul.f32 v7, v9;
	v8 =	vld [tilespmem:s22+$0xFFFFFFF0]  }
0xa5: {  	s26 =	sadd.s32 $0x1, s24;
	v14 =	vand.u32 $0xFFFFFFFC, v14;
	v7 =	vmov s25;
	[tilespmem:s22+$0xFFFFFF90] =	vst v13;
	v12 =	vmul.f32 v10, v9;
	v10 =	vld [tilespmem:s22+$0x0]  }
0xa6: {  	s25 =	sadd.s32 $0x2, s24;
	s24 =	sadd.s32 $0x4, s24;
	v9 =	vbroadcast v14, $0x0;
	v14 =	vmov s26;
	[tilespmem:s22+$0xFFFFFFA0] =	vst v15;
	v13 =	vmul.f32 v11, v4;
	v11 =	vld [tilespmem:s22+$0x10]  }
0xa7: {  	v16 =	vld [tilespmem:s22+$0x20]  }
0xa8: {  	v17 =	vld [tilespmem:s22+$0x40]  }
0xa9: {  	v18 =	vld [tilespmem:s22+$0x50]  }
0xaa: {  	v19 =	vld [tilespmem:s22+$0x60]  }
0xab: {  	v15 =	vmov s25;
	[tilespmem:s22+$0xFFFFFFB0] =	vst v12;
	v6 =	vmul.f32 v6, v4;
	v32 =	vld [tilespmem:s22+$0x70]  }
0xac: {  	v7 =	vld.idx.msk [tilespmem:v7+s16+$0x0], $0xffff;
	v15 =	vand.u32 $0xFFFFFFFE, v15;
	[tilespmem:s22+$0xFFFFFFC0] =	vst v13;
	v5 =	vmul.f32 v5, v4  }
0xad: {  	v14 =	vand.u32 $0xFFFFFFFD, v14;
	s24 =	sadd.s32 $0x100, s22;
	v34 =	vld.idx.msk [tilespmem:v9+s16+$0x0], $0xffff;
	v15 =	vbroadcast v15, $0x0;
	[tilespmem:s22+$0xFFFFFFD0] =	vst v6;
	v33 =	vmul.f32 v8, v4  }
0xae: {  	v14 =	vbroadcast v14, $0x0;
	v39 =	vld [tilespmem:s24+$0x30];
	[tilespmem:s22+$0xFFFFFFE0] =	vst v5;
	v35 =	vmul.f32 v10, v3  }
0xaf: {  	v41 =	vld [tilespmem:s24+$0xFFFFFF80];
	[tilespmem:s22+$0xFFFFFFF0] =	vst v33;
	v37 =	vmul.f32 v11, v3  }
0xb0: {  	v42 =	vld [tilespmem:s24+$0xFFFFFF90];
	[tilespmem:s22+$0x0] =	vst v35;
	v3 =	vmul.f32 v16, v3  }
0xb1: {  	v44 =	vld [tilespmem:s24+$0xFFFFFFA0];
	v40 =	vmul.f32 v17, v2;
	[tilespmem:s22+$0x10] =	vst v37  }
0xb2: {  	v45 =	vld [tilespmem:s24+$0xFFFFFFC0];
	[tilespmem:s22+$0x20] =	vst v3;
	v3 =	vmul.f32 v18, v2  }
0xb3: {  	v43 =	vmul.f32 v19, v2;
	[tilespmem:s23+$0x40] =	vst v40;
	v2 =	vmul.f32 v32, v2;
	v38 =	vld.idx.msk [tilespmem:v15+s16+$0x0], $0xffff  }
0xb4: {  	v36 =	vld.idx.msk [tilespmem:v14+s16+$0x0], $0xffff;
	[tilespmem:s23+$0x50] =	vst v3  }
0xb5: {  	v3 =	vld [tilespmem:s24+$0xFFFFFFB0];
	[tilespmem:s23+$0x70] =	vst v2;
	v2 =	vmul.f32 v41, v34  }
0xb6: {  	v47 =	vld [tilespmem:s24+$0xFFFFFFE0];
	v11 =	vmul.f32 v42, v34;
	[tilespmem:s23+$0x60] =	vst v43  }
0xb7: {  	v46 =	vld [tilespmem:s24+$0xFFFFFFD0];
	[tilespmem:s24+$0xFFFFFF80] =	vst v2;
	v2 =	vmul.f32 v44, v34  }
0xb8: {  	v49 =	vld [tilespmem:s24+$0x0];
	[tilespmem:s24+$0xFFFFFF90] =	vst v11;
	v5 =	vmul.f32 v39, v38  }
0xb9: {  	v48 =	vld [tilespmem:s24+$0xFFFFFFF0];
	[tilespmem:s24+$0xFFFFFFA0] =	vst v2;
	v2 =	vmul.f32 v45, v36  }
0xba: {  	v51 =	vld [tilespmem:s24+$0x20];
	v3 =	vmul.f32 v3, v34;
	[tilespmem:s24+$0x30] =	vst v5  }
0xbb: {  	v50 =	vld [tilespmem:s24+$0x10];
	[tilespmem:s24+$0xFFFFFFC0] =	vst v2;
	v2 =	vmul.f32 v47, v36  }
0xbc: {  	v53 =	vld [tilespmem:s24+$0x50];
	[tilespmem:s24+$0xFFFFFFB0] =	vst v3;
	v3 =	vmul.f32 v46, v36  }
0xbd: {  	v52 =	vld [tilespmem:s24+$0x40];
	[tilespmem:s24+$0xFFFFFFE0] =	vst v2;
	v2 =	vmul.f32 v49, v38  }
0xbe: {  	v55 =	vld [tilespmem:s24+$0x70];
	[tilespmem:s24+$0xFFFFFFD0] =	vst v3;
	v3 =	vmul.f32 v48, v36  }
0xbf: {  	v54 =	vld [tilespmem:s24+$0x60];
	[tilespmem:s24+$0x0] =	vst v2;
	v2 =	vmul.f32 v51, v38  }
0xc0: {  	[tilespmem:s24+$0xFFFFFFF0] =	vst v3;
	v3 =	vmul.f32 v50, v38  }
0xc1: {  	[tilespmem:s24+$0x20] =	vst v2;
	v2 =	vmul.f32 v53, v7  }
0xc2: {  	[tilespmem:s24+$0x10] =	vst v3;
	v3 =	vmul.f32 v52, v7  }
0xc3: {  	[tilespmem:s24+$0x50] =	vst v2;
	v2 =	vmul.f32 v55, v7  }
0xc4: {  	[tilespmem:s24+$0x40] =	vst v3;
	v3 =	vmul.f32 v54, v7  }
0xc5: {  	[tilespmem:s24+$0x70] =	vst v2  }
0xc6: {  	[tilespmem:s24+$0x60] =	vst v3  }
0xc7: {  	v2 =	vld [tilespmem:$0x18080];
	_ =	sdelay $0x4  }
0xc8: {  	v3 =	vadd.s32 $0xFFFFFFFF, v2  }
0xc9: {  	vm0 =	vgt.s32 v3, $0x0  }
0xca: {  	v56 =	vld [tilespmem:$0x18090];
	v3 =	vnsel vm0, $0x0, v3;
	_ =	sdelay $0x4  }
0xcb: {  	v57 =	vadd.s32 $0xFFFFFFFF, v56;
	v3 =	vld.idx.msk [tilespmem:v3+s17+$0x0], $0xffff  }
0xcc: {  	vm13 =	vgt.s32 v57, $0x0  }
0xcd: {  	v58 =	vld [tilespmem:$0x180A0];
	v5 =	vnsel vm13, $0x0, v57;
	_ =	sdelay $0x1  }
0xce: {  	vm14 =	vgt.s32 v2, $0x0  }
0xcf: {  	v2 =	vnsel vm14, $0x0, v3  }
0xd0: {  	[tilespmem:$0x18200] =	vst v2  }
0xd1: {  	v3 =	vadd.s32 $0xFFFFFFFF, v58;
	v2 =	vld.idx.msk [tilespmem:v5+s17+$0x0], $0xffff  }
0xd2: {  	vm15 =	vgt.s32 v3, $0x0  }
0xd3: {  	v59 =	vld [tilespmem:$0x180B0];
	v3 =	vnsel vm15, $0x0, v3;
	_ =	sdelay $0x1  }
0xd4: {  	vm4 =	vgt.s32 v56, $0x0  }
0xd5: {  	v2 =	vnsel vm4, $0x0, v2  }
0xd6: {  	[tilespmem:$0x18210] =	vst v2  }
0xd7: {  	v2 =	vld.idx.msk [tilespmem:v3+s17+$0x0], $0xffff;
	v3 =	vadd.s32 $0xFFFFFFFF, v59  }
0xd8: {  	vm5 =	vgt.s32 v3, $0x0  }
0xd9: {  	v60 =	vld [tilespmem:$0x180C0];
	v3 =	vnsel vm5, $0x0, v3;
	_ =	sdelay $0x1  }
0xda: {  	vm6 =	vgt.s32 v58, $0x0  }
0xdb: {  	v2 =	vnsel vm6, $0x0, v2  }
0xdc: {  	[tilespmem:$0x18220] =	vst v2  }
0xdd: {  	v2 =	vld.idx.msk [tilespmem:v3+s17+$0x0], $0xffff;
	v3 =	vadd.s32 $0xFFFFFFFF, v60  }
0xde: {  	vm7 =	vgt.s32 v3, $0x0  }
0xdf: {  	v61 =	vld [tilespmem:$0x180D0];
	v3 =	vnsel vm7, $0x0, v3;
	_ =	sdelay $0x1  }
0xe0: {  	vm8 =	vgt.s32 v59, $0x0  }
0xe1: {  	v2 =	vnsel vm8, $0x0, v2  }
0xe2: {  	[tilespmem:$0x18230] =	vst v2  }
0xe3: {  	v2 =	vld.idx.msk [tilespmem:v3+s17+$0x0], $0xffff;
	v3 =	vadd.s32 $0xFFFFFFFF, v61  }
0xe4: {  	vm9 =	vgt.s32 v3, $0x0  }
0xe5: {  	v62 =	vld [tilespmem:$0x180E0];
	v3 =	vnsel vm9, $0x0, v3;
	_ =	sdelay $0x1  }
0xe6: {  	vm10 =	vgt.s32 v60, $0x0  }
0xe7: {  	v2 =	vnsel vm10, $0x0, v2  }
0xe8: {  	[tilespmem:$0x18240] =	vst v2  }
0xe9: {  	v2 =	vld.idx.msk [tilespmem:v3+s17+$0x0], $0xffff;
	v3 =	vadd.s32 $0xFFFFFFFF, v62  }
0xea: {  	vm11 =	vgt.s32 v3, $0x0  }
0xeb: {  	v63 =	vld [tilespmem:$0x180F0];
	v3 =	vnsel vm11, $0x0, v3;
	_ =	sdelay $0x1  }
0xec: {  	vm12 =	vgt.s32 v61, $0x0  }
0xed: {  	v2 =	vnsel vm12, $0x0, v2  }
0xee: {  	[tilespmem:$0x18250] =	vst v2  }
0xef: {  	v2 =	vld.idx.msk [tilespmem:v3+s17+$0x0], $0xffff;
	v3 =	vadd.s32 $0xFFFFFFFF, v63  }
0xf0: {  	vm13 =	vgt.s32 v3, $0x0  }
0xf1: {  	v3 =	vnsel vm13, $0x0, v3;
	_ =	sdelay $0x1  }
0xf2: {  	vm14 =	vgt.s32 v62, $0x0  }
0xf3: {  	v2 =	vnsel vm14, $0x0, v2  }
0xf4: {  	[tilespmem:$0x18260] =	vst v2  }
0xf5: {  	v2 =	vld.idx.msk [tilespmem:v3+s17+$0x0], $0xffff;
	_ =	sdelay $0x3  }
0xf6: {  	vm15 =	vgt.s32 v63, $0x0  }
0xf7: {  	s21 =	sshll.u32 s21, $0x3;
	v2 =	vnsel vm15, $0x0, v2  }
0xf8: {  	s21 =	sadd.s32 s6, s21;
	[tilespmem:$0x18270] =	vst v2  }
0xf9: {  	[hbm4b:s21+s7] =	stream.linear.scatter [tilespmem:s15], [sflag:$0x4], $0x2000, $0x38;
	[tilespmem:$0x1A280] =	vst v63  }
0xfa: {  	s19 =	sadd.s32 $0x1, s19;
	_ =	swait.ge [sflag:s8], $0x2000  }
0xfb: {  	p0 =	sne.s32 s19, $0x8;
	[sflag:s8] =	ssyncset.done $0x0  }
.Ltmp3:
0xfc: {  	s20 =	sadd.s32 s3, s20;
	[sflag:s8] =	ssyncadd.s32 $0xFFFFE000;
	(pc) =	sbr.rel @p0 .LBB2_5-.Ltmp3, $4  }
0xfd: {  	[hbm4b:s20+s7] =	stream.linear.scatter [tilespmem:s18], [sflag:$0x4], $0x80, $0x38;
	[tilespmem:$0x1A280] =	vst v63  }
0xfe: {  	_ =	swait.ge [sflag:s8], $0x80  }
0xff: {  	[sflag:s8] =	ssyncset.done $0x0  }
0x100: {  	[sflag:s8] =	ssyncadd.s32 $0xFFFFFF80  }
0x101: {  	_ =	sfence.sel $0x180000  }
0x102: {  	[bflag:$0x0] =	sbarrier.arrive $0xFFFF  }
0x103: {  	p0 =	sne.s32 s5, $0x0;
	_ =	strace $0x90000047  }
0x104: {  	s0 =	sadd.s32 @!p0 $0x100000, s0;
	[bflag:$0x2] =	sbarrier.arrive $0xFFFF  }
0x105: {  	[sflag:s0] =	ssyncadd.tile.s32 @!p0 $0x1;
	_ =	shalt  }
.Lfunc_end2:
_tile_overlayer_lowered:
.L_overlay_start_2:
0x106: {  	(tag) =	ssettag $0x2  }
0x107: {  	s0 =	rddreg [dreg:$0x0];
	s2 =	stileid.u32  }
0x108: {  	s1 =	rddreg [dreg:$0x1];
	p0 =	sne.s32 s2, $0x0  }
0x109: {  	s3 =	rddreg [dreg:$0x2];
	[bflag:$0x3] =	sbarrier.arrive $0xFFFF;
	s2 =	simm.s32 @!p0 $0x1C04  }
0x10a: {  	[timem:s3], [sflag:s2] =	dma.local @!p0 [hbm:s0], s1  }
0x10b: {  	s0 =	simm.s32 @!p0 $0x4  }
0x10c: {  	_ =	swait.ge @!p0 [sflag:s0], s1  }
0x10d: {  	s1 =	ssub.s32 @!p0 $0x0, s1;
	[sflag:s0] =	ssyncset.done @!p0 $0x0  }
0x10e: {  	[sflag:s0] =	ssyncadd.s32 @!p0 s1  }
0x10f: {  	[bflag:$0x3] =	sbarrier.arrive $0xFFFF  }
0x110: {  	_ =	shalt  }

</sc_bundles>
